<compile_context>
chip_gen: v7x
topology: tpu7x:2x2x1
jax: 0.10.2.dev20260603
libtpu: 0.0.44.dev20260713+nightly
codegen_flags: <defaults>
</compile_context>

<pallas_src>
import functools

import jax
import jax.numpy as jnp
from jax import lax
from jax.experimental import pallas as pl
from jax.experimental.pallas import tpu as pltpu
from jax.experimental.pallas import tpu_sc as plsc

VOCAB = 8192
ZC = 32
BETA = 0.25
N_TOK = 8 * 32 * 32
HW = 32 * 32

BLK = 256
GRID = N_TOK // BLK
BPB = HW // BLK

CHUNK = 2048

NC = 2
NS = 16
NW = NC * NS
B_PER_W = N_TOK // NW
CH = 128
N_CH = B_PER_W // CH


def _argmin_body(z3_ref, embt_ref, idx_ref, zn_ref):
    zt = z3_ref[0]
    z = zt.T
    zn = z / jnp.maximum(jnp.sqrt(jnp.sum(z * z, axis=1, keepdims=True)), 1e-12)
    zn_ref[...] = zn
    et = embt_ref[...]
    en_t = et / jnp.maximum(
        jnp.sqrt(jnp.sum(et * et, axis=0, keepdims=True)), 1e-12)
    zz = jnp.sum(zn * zn, axis=1, keepdims=True)
    ee = jnp.sum(en_t * en_t, axis=0, keepdims=True)
    mm2 = lax.dot_general(zn + zn, en_t, (((1,), (0,)), ((), ())))
    d = (zz + ee) - mm2
    best = jnp.full((BLK, 1), jnp.inf, jnp.float32)
    bidx = jnp.zeros((BLK, 1), jnp.int32)
    for c in range(VOCAB // CHUNK):
        dc = d[:, c * CHUNK:(c + 1) * CHUNK]
        cmin = jnp.min(dc, axis=1, keepdims=True)
        cols = c * CHUNK + lax.broadcasted_iota(jnp.int32, dc.shape, 1)
        cidx = jnp.min(jnp.where(dc == cmin, cols, jnp.int32(2**30)),
                       axis=1, keepdims=True)
        repl = (cmin < best) | ((cmin == best) & (cidx < bidx))
        bidx = jnp.where(repl, cidx, bidx)
        best = jnp.where(repl, cmin, best)
        best = best.astype(jnp.bfloat16).astype(jnp.float32)
    idx_ref[...] = bidx.reshape(1, 1, BLK)


def _tc_argmin(z3, embt):
    return pl.pallas_call(
        _argmin_body,
        grid=(GRID,),
        in_specs=[
            pl.BlockSpec((1, ZC, BLK), lambda i: (i // BPB, 0, i % BPB)),
            pl.BlockSpec((ZC, VOCAB), lambda i: (0, 0)),
        ],
        out_specs=[
            pl.BlockSpec((1, 1, BLK), lambda i: (i, 0, 0)),
            pl.BlockSpec((BLK, ZC), lambda i: (i, 0)),
        ],
        out_shape=[
            jax.ShapeDtypeStruct((GRID, 1, BLK), jnp.int32),
            jax.ShapeDtypeStruct((N_TOK, ZC), jnp.float32),
        ],
    )(z3, embt)


def _sc_body(idx_hbm, emb_hbm, zq_hbm, counts_hbm,
             idx_v, rows_v, ones_v, zeros_v, counts_sh, sem):
    c = lax.axis_index("c")
    s = lax.axis_index("s")
    wid = s * NC + c
    base = wid * B_PER_W

    for j in range(N_CH):
        pltpu.sync_copy(idx_hbm.at[pl.ds(base + j * CH, CH)], idx_v.at[j])

    zseg = VOCAB // NS
    for i in range(zseg // 16):
        zeros_v[pl.ds(i * 16, 16)] = jnp.zeros((16,), jnp.float32)
    pltpu.sync_copy(zeros_v, counts_sh.at[pl.ds(s * zseg, zseg)])
    for i in range(CH // 16):
        ones_v[pl.ds(i * 16, 16)] = jnp.full((16,), 1.0, jnp.float32)

    for j in range(N_CH):
        pltpu.async_copy(emb_hbm.at[idx_v.at[j]], rows_v.at[j], sem).wait()
        pltpu.sync_copy(rows_v.at[j], zq_hbm.at[pl.ds(base + j * CH, CH)])

    plsc.subcore_barrier()
    for j in range(N_CH):
        pltpu.sync_copy(ones_v, counts_sh.at[idx_v.at[j]], add=True)
    plsc.subcore_barrier()

    @pl.when(s == 0)
    def _():
        pltpu.sync_copy(counts_sh, counts_hbm.at[c])


def _sc_gather_count(idx, emb):
    mesh = plsc.VectorSubcoreMesh(core_axis_name="c", subcore_axis_name="s")
    fn = functools.partial(
        pl.kernel,
        out_type=(
            jax.ShapeDtypeStruct((N_TOK, ZC), jnp.float32),
            jax.ShapeDtypeStruct((NC, VOCAB), jnp.float32),
        ),
        mesh=mesh,
        scratch_types=[
            pltpu.VMEM((N_CH, CH), jnp.int32),
            pltpu.VMEM((N_CH, CH, ZC), jnp.float32),
            pltpu.VMEM((CH,), jnp.float32),
            pltpu.VMEM((VOCAB // NS,), jnp.float32),
            pltpu.VMEM_SHARED((VOCAB,), jnp.float32),
            pltpu.SemaphoreType.DMA,
        ],
        compiler_params=pltpu.CompilerParams(use_tc_tiling_on_sc=False),
    )(_sc_body)
    return fn(idx, emb)


def _final_body(zq_ref, zn_ref, cnt_ref, out_ref, usage_ref, vq_ref, com_ref,
                acc_ref):
    i = pl.program_id(0)

    @pl.when(i == 0)
    def _():
        acc_ref[0] = 0.0

    q = zq_ref[...]
    qn = q / jnp.maximum(jnp.sqrt(jnp.sum(q * q, axis=1, keepdims=True)), 1e-12)
    zn = zn_ref[...]
    stq = zn + (qn - zn)
    out_ref[0] = stq.T
    diff = qn - zn
    acc_ref[0] += jnp.sum(diff * diff)

    @pl.when(i == GRID - 1)
    def _():
        m = acc_ref[0] / (N_TOK * ZC)
        vq_ref[...] = m.reshape(1, 1)
        com_ref[...] = (BETA * m).reshape(1, 1)
        cnt = cnt_ref[...]
        tot = cnt[0:1, :] + cnt[1:2, :]
        margin = 1.0 * (float(N_TOK * ZC) / ZC) / VOCAB * 0.08
        used = (tot >= margin).astype(jnp.float32)
        usage_ref[...] = (jnp.mean(used) * 100.0).reshape(1, 1)


def _tc_final(zq_raw, zn, counts):
    return pl.pallas_call(
        _final_body,
        grid=(GRID,),
        in_specs=[
            pl.BlockSpec((BLK, ZC), lambda i: (i, 0)),
            pl.BlockSpec((BLK, ZC), lambda i: (i, 0)),
            pl.BlockSpec((NC, VOCAB), lambda i: (0, 0)),
        ],
        out_specs=[
            pl.BlockSpec((1, ZC, BLK), lambda i: (i // BPB, 0, i % BPB)),
            pl.BlockSpec((1, 1), lambda i: (0, 0)),
            pl.BlockSpec((1, 1), lambda i: (0, 0)),
            pl.BlockSpec((1, 1), lambda i: (0, 0)),
        ],
        out_shape=[
            jax.ShapeDtypeStruct((8, ZC, HW), jnp.float32),
            jax.ShapeDtypeStruct((1, 1), jnp.float32),
            jax.ShapeDtypeStruct((1, 1), jnp.float32),
            jax.ShapeDtypeStruct((1, 1), jnp.float32),
        ],
        scratch_shapes=[pltpu.SMEM((1,), jnp.float32)],
    )(zq_raw, zn, counts)


def kernel(z, embedding):
    b, ch, h, w = z.shape
    z3 = z.reshape(b, ch, h * w)
    embt = embedding.T
    idx3, zn = _tc_argmin(z3, embt)
    idx = idx3.reshape(N_TOK)
    zq_raw, counts = _sc_gather_count(idx, embedding)
    zq3, usage, vq, commit = _tc_final(zq_raw, zn, counts)
    z_q = zq3.reshape(b, ch, h, w)
    return (z_q, usage.reshape(()), vq.reshape(()), commit.reshape(()))

# --- scband reference (transcript-rebuilt; emitter-appended) ---
"""Pipeline reference for scband-vector-quantizer-36378372997743 (READ-ONLY COPY).

The authoritative reference and input builder live on the scoring server;
editing this copy changes nothing except your own understanding.
"""

import jax, jax.numpy as jnp
import numpy as np

VOCAB = 8192
ZC = 32
BETA = 0.25


def _l2norm(x):
    n = jnp.sqrt(jnp.sum(x * x, axis=-1, keepdims=True))
    return x / jnp.maximum(n, 1e-12)


def setup_inputs(seed: int = 0) -> dict:
    key = jax.random.key(seed)
    k1, k2 = jax.random.split(key)
    z = jax.random.normal(k1, (8, 32, 32, 32), dtype=jnp.float32)
    emb = jax.random.uniform(k2, (VOCAB, ZC), minval=-1.0 / VOCAB, maxval=1.0 / VOCAB, dtype=jnp.float32)
    emb = _l2norm(emb)  # codebook_norm init
    return {"z": z, "embedding": emb}


def reference(z, embedding):
    # b c h w -> b h w c
    zt = jnp.transpose(z, (0, 2, 3, 1))
    z_flat = zt.reshape(-1, ZC)
    # codebook_norm=True path
    zt = _l2norm(zt)
    z_flat = _l2norm(z_flat)
    emb_n = _l2norm(embedding)
    # squared L2 distances to all codes
    d = (jnp.sum(z_flat ** 2, axis=1, keepdims=True)
         + jnp.sum(emb_n ** 2, axis=1)
         - 2.0 * (z_flat @ emb_n.T))
    min_encoding_indices = jnp.argmin(d, axis=1)
    z_q = jnp.take(embedding, min_encoding_indices, axis=0).reshape(zt.shape)
    z_q = _l2norm(z_q)
    # usage stats (single device: world_size=1, record_hit==0 -> ema = hit)
    hit_V = jnp.bincount(min_encoding_indices, length=VOCAB).astype(jnp.float32)
    ema = hit_V
    margin = 1.0 * (zt.size / ZC) / VOCAB * 0.08
    codebook_usage = jnp.mean((ema >= margin).astype(jnp.float32)) * 100.0
    commit_loss = BETA * jnp.mean((jax.lax.stop_gradient(z_q) - zt) ** 2)
    vq_loss = jnp.mean((z_q - jax.lax.stop_gradient(zt)) ** 2)
    # straight-through
    z_q = zt + jax.lax.stop_gradient(z_q - zt)
    # b h w c -> b c h w
    z_q = jnp.transpose(z_q, (0, 3, 1, 2))
    return (z_q, codebook_usage, vq_loss, commit_loss)

if __name__ == "__main__":
    import jax
    _d = setup_inputs()
    print(jax.jit(kernel)(*tuple(_d.values())))

</pallas_src>

<mosaic_0001>
#map = affine_map<(d0, d1) -> (0)>
#map1 = affine_map<(d0, d1) -> (0, 0)>
module attributes {stable_mosaic.version = 14 : i64} {
  func.func @_sc_body(%arg0: i32, %arg1: i32, %arg2: memref<8192xi32, #tpu.memory_space<hbm>>, %arg3: memref<8192x32xf32, #tpu.memory_space<hbm>>, %arg4: memref<8192x32xf32, #tpu.memory_space<hbm>>, %arg5: memref<2x8192xf32, #tpu.memory_space<hbm>>, %arg6: memref<2x128xi32, #tpu.memory_space<vmem>>, %arg7: memref<2x128x32xf32, #tpu.memory_space<vmem>>, %arg8: memref<128xf32, #tpu.memory_space<vmem>>, %arg9: memref<512xf32, #tpu.memory_space<vmem>>, %arg10: memref<8192xf32, #tpu.memory_space<vmem_shared>>, %arg11: memref<!tpu.dma_semaphore, #tpu.memory_space<semaphore_mem>>) attributes {dimension_semantics = [#tpu.dimension_semantics<core_parallel>, #tpu.dimension_semantics<subcore_parallel>], iteration_bounds = array<i64: 2, 16>, scalar_prefetch = 0 : i64, scratch_operands = 6 : i64, tpu.core_type = #tpu.core_type<sc_vector_subcore>, window_params = [{transform_indices = #map}, {transform_indices = #map1}, {transform_indices = #map1}, {transform_indices = #map1}]} {
    %mul3A = arith.constant 2 : i32
    %mul3A_0 = arith.muli %arg1, %mul3A : i32
    %add3A = arith.addi %mul3A_0, %arg0 : i32
    %mul3A_1 = arith.constant 256 : i32
    %mul3A_2 = arith.muli %add3A, %mul3A_1 : i32
    %add3A_3 = arith.constant 0 : i32
    %add3A_4 = arith.addi %mul3A_2, %add3A_3 : i32
    %run_scoped3A = arith.constant 0 : i32
    "tpu.region"() ({
      %run_scoped3A_305 = tpu.sem_alloc : memref<!tpu.dma_semaphore, #tpu.memory_space<semaphore_mem>>
      %dma_start3A_306 = arith.constant 0 : i32
      %dma_start3A_307 = tpu.memref_slice %arg6[%run_scoped3A, %dma_start3A_306] : memref<2x128xi32, #tpu.memory_space<vmem>> -> memref<1x128xi32, #tpu.memory_space<vmem>>
      %dma_start3A_308 = tpu.memref_squeeze %dma_start3A_307 : memref<1x128xi32, #tpu.memory_space<vmem>> -> memref<128xi32, #tpu.memory_space<vmem>>
      %dma_start3A_309 = tpu.memref_slice %arg2[%add3A_4] : memref<8192xi32, #tpu.memory_space<hbm>> -> memref<128xi32, #tpu.memory_space<hbm>>
      %dma_start3A_310 = arith.constant 0 : i32
      %dma_start3A_311 = tpu.memref_slice %arg6[%run_scoped3A, %dma_start3A_310] : memref<2x128xi32, #tpu.memory_space<vmem>> -> memref<1x128xi32, #tpu.memory_space<vmem>>
      %dma_start3A_312 = tpu.memref_squeeze %dma_start3A_311 : memref<1x128xi32, #tpu.memory_space<vmem>> -> memref<128xi32, #tpu.memory_space<vmem>>
      %dma_start3A_313 = tpu.memref_slice %arg2[%add3A_4] : memref<8192xi32, #tpu.memory_space<hbm>> -> memref<128xi32, #tpu.memory_space<hbm>>
      tpu.enqueue_dma source(%dma_start3A_313 : memref<128xi32, #tpu.memory_space<hbm>>) target(%dma_start3A_312 : memref<128xi32, #tpu.memory_space<vmem>>) target_semaphore(%run_scoped3A_305 : memref<!tpu.dma_semaphore, #tpu.memory_space<semaphore_mem>>)
      %dma_wait3A_314 = arith.constant 0 : i32
      %dma_wait3A_315 = tpu.memref_slice %arg6[%run_scoped3A, %dma_wait3A_314] : memref<2x128xi32, #tpu.memory_space<vmem>> -> memref<1x128xi32, #tpu.memory_space<vmem>>
      %dma_wait3A_316 = tpu.memref_squeeze %dma_wait3A_315 : memref<1x128xi32, #tpu.memory_space<vmem>> -> memref<128xi32, #tpu.memory_space<vmem>>
      %dma_wait3A_317 = tpu.memref_slice %arg2[%add3A_4] : memref<8192xi32, #tpu.memory_space<hbm>> -> memref<128xi32, #tpu.memory_space<hbm>>
      %dma_wait3A_318 = arith.constant 0 : i32
      %dma_wait3A_319 = tpu.memref_slice %arg6[%run_scoped3A, %dma_wait3A_318] : memref<2x128xi32, #tpu.memory_space<vmem>> -> memref<1x128xi32, #tpu.memory_space<vmem>>
      %dma_wait3A_320 = tpu.memref_squeeze %dma_wait3A_319 : memref<1x128xi32, #tpu.memory_space<vmem>> -> memref<128xi32, #tpu.memory_space<vmem>>
      %dma_wait3A_321 = tpu.memref_slice %arg2[%add3A_4] : memref<8192xi32, #tpu.memory_space<hbm>> -> memref<128xi32, #tpu.memory_space<hbm>>
      tpu.wait_dma2 semaphore(%run_scoped3A_305 : memref<!tpu.dma_semaphore, #tpu.memory_space<semaphore_mem>>) src(%dma_wait3A_321 : memref<128xi32, #tpu.memory_space<hbm>>) dst(%dma_wait3A_320 : memref<128xi32, #tpu.memory_space<vmem>>)
      tpu.yield
    }) : () -> ()
    %add3A_5 = arith.constant 128 : i32
    %add3A_6 = arith.addi %mul3A_2, %add3A_5 : i32
    %run_scoped3A_7 = arith.constant 1 : i32
    "tpu.region"() ({
      %run_scoped3A_305 = tpu.sem_alloc : memref<!tpu.dma_semaphore, #tpu.memory_space<semaphore_mem>>
      %dma_start3A_306 = arith.constant 0 : i32
      %dma_start3A_307 = tpu.memref_slice %arg6[%run_scoped3A_7, %dma_start3A_306] : memref<2x128xi32, #tpu.memory_space<vmem>> -> memref<1x128xi32, #tpu.memory_space<vmem>>
      %dma_start3A_308 = tpu.memref_squeeze %dma_start3A_307 : memref<1x128xi32, #tpu.memory_space<vmem>> -> memref<128xi32, #tpu.memory_space<vmem>>
      %dma_start3A_309 = tpu.memref_slice %arg2[%add3A_6] : memref<8192xi32, #tpu.memory_space<hbm>> -> memref<128xi32, #tpu.memory_space<hbm>>
      %dma_start3A_310 = arith.constant 0 : i32
      %dma_start3A_311 = tpu.memref_slice %arg6[%run_scoped3A_7, %dma_start3A_310] : memref<2x128xi32, #tpu.memory_space<vmem>> -> memref<1x128xi32, #tpu.memory_space<vmem>>
      %dma_start3A_312 = tpu.memref_squeeze %dma_start3A_311 : memref<1x128xi32, #tpu.memory_space<vmem>> -> memref<128xi32, #tpu.memory_space<vmem>>
      %dma_start3A_313 = tpu.memref_slice %arg2[%add3A_6] : memref<8192xi32, #tpu.memory_space<hbm>> -> memref<128xi32, #tpu.memory_space<hbm>>
      tpu.enqueue_dma source(%dma_start3A_313 : memref<128xi32, #tpu.memory_space<hbm>>) target(%dma_start3A_312 : memref<128xi32, #tpu.memory_space<vmem>>) target_semaphore(%run_scoped3A_305 : memref<!tpu.dma_semaphore, #tpu.memory_space<semaphore_mem>>)
      %dma_wait3A_314 = arith.constant 0 : i32
      %dma_wait3A_315 = tpu.memref_slice %arg6[%run_scoped3A_7, %dma_wait3A_314] : memref<2x128xi32, #tpu.memory_space<vmem>> -> memref<1x128xi32, #tpu.memory_space<vmem>>
      %dma_wait3A_316 = tpu.memref_squeeze %dma_wait3A_315 : memref<1x128xi32, #tpu.memory_space<vmem>> -> memref<128xi32, #tpu.memory_space<vmem>>
      %dma_wait3A_317 = tpu.memref_slice %arg2[%add3A_6] : memref<8192xi32, #tpu.memory_space<hbm>> -> memref<128xi32, #tpu.memory_space<hbm>>
      %dma_wait3A_318 = arith.constant 0 : i32
      %dma_wait3A_319 = tpu.memref_slice %arg6[%run_scoped3A_7, %dma_wait3A_318] : memref<2x128xi32, #tpu.memory_space<vmem>> -> memref<1x128xi32, #tpu.memory_space<vmem>>
      %dma_wait3A_320 = tpu.memref_squeeze %dma_wait3A_319 : memref<1x128xi32, #tpu.memory_space<vmem>> -> memref<128xi32, #tpu.memory_space<vmem>>
      %dma_wait3A_321 = tpu.memref_slice %arg2[%add3A_6] : memref<8192xi32, #tpu.memory_space<hbm>> -> memref<128xi32, #tpu.memory_space<hbm>>
      tpu.wait_dma2 semaphore(%run_scoped3A_305 : memref<!tpu.dma_semaphore, #tpu.memory_space<semaphore_mem>>) src(%dma_wait3A_321 : memref<128xi32, #tpu.memory_space<hbm>>) dst(%dma_wait3A_320 : memref<128xi32, #tpu.memory_space<vmem>>)
      tpu.yield
    }) : () -> ()
    %broadcast_in_dim3A = arith.constant 0.000000e+00 : f32
    %broadcast_in_dim3A_8 = vector.broadcast %broadcast_in_dim3A : f32 to vector<16xf32>
    %swap3A = arith.constant 0 : index
    %swap3A_9 = tpu.vector_load %arg9[%swap3A] {strides = array<i32>} : memref<512xf32, #tpu.memory_space<vmem>>, vector<16xf32>,
    %swap3A_10 = vector.shape_cast %swap3A_9 : vector<16xf32> to vector<16xf32>
    %swap3A_11 = vector.shape_cast %broadcast_in_dim3A_8 : vector<16xf32> to vector<16xf32>
    tpu.vector_store %arg9[%swap3A], %swap3A_11 {strides = array<i32>} : memref<512xf32, #tpu.memory_space<vmem>>, vector<16xf32>,
    %broadcast_in_dim3A_12 = arith.constant 0.000000e+00 : f32
    %broadcast_in_dim3A_13 = vector.broadcast %broadcast_in_dim3A_12 : f32 to vector<16xf32>
    %swap3A_14 = arith.constant 16 : index
    %swap3A_15 = tpu.vector_load %arg9[%swap3A_14] {strides = array<i32>} : memref<512xf32, #tpu.memory_space<vmem>>, vector<16xf32>,
    %swap3A_16 = vector.shape_cast %swap3A_15 : vector<16xf32> to vector<16xf32>
    %swap3A_17 = vector.shape_cast %broadcast_in_dim3A_13 : vector<16xf32> to vector<16xf32>
    tpu.vector_store %arg9[%swap3A_14], %swap3A_17 {strides = array<i32>} : memref<512xf32, #tpu.memory_space<vmem>>, vector<16xf32>,
    %broadcast_in_dim3A_18 = arith.constant 0.000000e+00 : f32
    %broadcast_in_dim3A_19 = vector.broadcast %broadcast_in_dim3A_18 : f32 to vector<16xf32>
    %swap3A_20 = arith.constant 32 : index
    %swap3A_21 = tpu.vector_load %arg9[%swap3A_20] {strides = array<i32>} : memref<512xf32, #tpu.memory_space<vmem>>, vector<16xf32>,
    %swap3A_22 = vector.shape_cast %swap3A_21 : vector<16xf32> to vector<16xf32>
    %swap3A_23 = vector.shape_cast %broadcast_in_dim3A_19 : vector<16xf32> to vector<16xf32>
    tpu.vector_store %arg9[%swap3A_20], %swap3A_23 {strides = array<i32>} : memref<512xf32, #tpu.memory_space<vmem>>, vector<16xf32>,
    %broadcast_in_dim3A_24 = arith.constant 0.000000e+00 : f32
    %broadcast_in_dim3A_25 = vector.broadcast %broadcast_in_dim3A_24 : f32 to vector<16xf32>
    %swap3A_26 = arith.constant 48 : index
    %swap3A_27 = tpu.vector_load %arg9[%swap3A_26] {strides = array<i32>} : memref<512xf32, #tpu.memory_space<vmem>>, vector<16xf32>,
    %swap3A_28 = vector.shape_cast %swap3A_27 : vector<16xf32> to vector<16xf32>
    %swap3A_29 = vector.shape_cast %broadcast_in_dim3A_25 : vector<16xf32> to vector<16xf32>
    tpu.vector_store %arg9[%swap3A_26], %swap3A_29 {strides = array<i32>} : memref<512xf32, #tpu.memory_space<vmem>>, vector<16xf32>,
    %broadcast_in_dim3A_30 = arith.constant 0.000000e+00 : f32
    %broadcast_in_dim3A_31 = vector.broadcast %broadcast_in_dim3A_30 : f32 to vector<16xf32>
    %swap3A_32 = arith.constant 64 : index
    %swap3A_33 = tpu.vector_load %arg9[%swap3A_32] {strides = array<i32>} : memref<512xf32, #tpu.memory_space<vmem>>, vector<16xf32>,
    %swap3A_34 = vector.shape_cast %swap3A_33 : vector<16xf32> to vector<16xf32>
    %swap3A_35 = vector.shape_cast %broadcast_in_dim3A_31 : vector<16xf32> to vector<16xf32>
    tpu.vector_store %arg9[%swap3A_32], %swap3A_35 {strides = array<i32>} : memref<512xf32, #tpu.memory_space<vmem>>, vector<16xf32>,
    %broadcast_in_dim3A_36 = arith.constant 0.000000e+00 : f32
    %broadcast_in_dim3A_37 = vector.broadcast %broadcast_in_dim3A_36 : f32 to vector<16xf32>
    %swap3A_38 = arith.constant 80 : index
    %swap3A_39 = tpu.vector_load %arg9[%swap3A_38] {strides = array<i32>} : memref<512xf32, #tpu.memory_space<vmem>>, vector<16xf32>,
    %swap3A_40 = vector.shape_cast %swap3A_39 : vector<16xf32> to vector<16xf32>
    %swap3A_41 = vector.shape_cast %broadcast_in_dim3A_37 : vector<16xf32> to vector<16xf32>
    tpu.vector_store %arg9[%swap3A_38], %swap3A_41 {strides = array<i32>} : memref<512xf32, #tpu.memory_space<vmem>>, vector<16xf32>,
    %broadcast_in_dim3A_42 = arith.constant 0.000000e+00 : f32
    %broadcast_in_dim3A_43 = vector.broadcast %broadcast_in_dim3A_42 : f32 to vector<16xf32>
    %swap3A_44 = arith.constant 96 : index
    %swap3A_45 = tpu.vector_load %arg9[%swap3A_44] {strides = array<i32>} : memref<512xf32, #tpu.memory_space<vmem>>, vector<16xf32>,
    %swap3A_46 = vector.shape_cast %swap3A_45 : vector<16xf32> to vector<16xf32>
    %swap3A_47 = vector.shape_cast %broadcast_in_dim3A_43 : vector<16xf32> to vector<16xf32>
    tpu.vector_store %arg9[%swap3A_44], %swap3A_47 {strides = array<i32>} : memref<512xf32, #tpu.memory_space<vmem>>, vector<16xf32>,
    %broadcast_in_dim3A_48 = arith.constant 0.000000e+00 : f32
    %broadcast_in_dim3A_49 = vector.broadcast %broadcast_in_dim3A_48 : f32 to vector<16xf32>
    %swap3A_50 = arith.constant 112 : index
    %swap3A_51 = tpu.vector_load %arg9[%swap3A_50] {strides = array<i32>} : memref<512xf32, #tpu.memory_space<vmem>>, vector<16xf32>,
    %swap3A_52 = vector.shape_cast %swap3A_51 : vector<16xf32> to vector<16xf32>
    %swap3A_53 = vector.shape_cast %broadcast_in_dim3A_49 : vector<16xf32> to vector<16xf32>
    tpu.vector_store %arg9[%swap3A_50], %swap3A_53 {strides = array<i32>} : memref<512xf32, #tpu.memory_space<vmem>>, vector<16xf32>,
    %broadcast_in_dim3A_54 = arith.constant 0.000000e+00 : f32
    %broadcast_in_dim3A_55 = vector.broadcast %broadcast_in_dim3A_54 : f32 to vector<16xf32>
    %swap3A_56 = arith.constant 128 : index
    %swap3A_57 = tpu.vector_load %arg9[%swap3A_56] {strides = array<i32>} : memref<512xf32, #tpu.memory_space<vmem>>, vector<16xf32>,
    %swap3A_58 = vector.shape_cast %swap3A_57 : vector<16xf32> to vector<16xf32>
    %swap3A_59 = vector.shape_cast %broadcast_in_dim3A_55 : vector<16xf32> to vector<16xf32>
    tpu.vector_store %arg9[%swap3A_56], %swap3A_59 {strides = array<i32>} : memref<512xf32, #tpu.memory_space<vmem>>, vector<16xf32>,
    %broadcast_in_dim3A_60 = arith.constant 0.000000e+00 : f32
    %broadcast_in_dim3A_61 = vector.broadcast %broadcast_in_dim3A_60 : f32 to vector<16xf32>
    %swap3A_62 = arith.constant 144 : index
    %swap3A_63 = tpu.vector_load %arg9[%swap3A_62] {strides = array<i32>} : memref<512xf32, #tpu.memory_space<vmem>>, vector<16xf32>,
    %swap3A_64 = vector.shape_cast %swap3A_63 : vector<16xf32> to vector<16xf32>
    %swap3A_65 = vector.shape_cast %broadcast_in_dim3A_61 : vector<16xf32> to vector<16xf32>
    tpu.vector_store %arg9[%swap3A_62], %swap3A_65 {strides = array<i32>} : memref<512xf32, #tpu.memory_space<vmem>>, vector<16xf32>,
    %broadcast_in_dim3A_66 = arith.constant 0.000000e+00 : f32
    %broadcast_in_dim3A_67 = vector.broadcast %broadcast_in_dim3A_66 : f32 to vector<16xf32>
    %swap3A_68 = arith.constant 160 : index
    %swap3A_69 = tpu.vector_load %arg9[%swap3A_68] {strides = array<i32>} : memref<512xf32, #tpu.memory_space<vmem>>, vector<16xf32>,
    %swap3A_70 = vector.shape_cast %swap3A_69 : vector<16xf32> to vector<16xf32>
    %swap3A_71 = vector.shape_cast %broadcast_in_dim3A_67 : vector<16xf32> to vector<16xf32>
    tpu.vector_store %arg9[%swap3A_68], %swap3A_71 {strides = array<i32>} : memref<512xf32, #tpu.memory_space<vmem>>, vector<16xf32>,
    %broadcast_in_dim3A_72 = arith.constant 0.000000e+00 : f32
    %broadcast_in_dim3A_73 = vector.broadcast %broadcast_in_dim3A_72 : f32 to vector<16xf32>
    %swap3A_74 = arith.constant 176 : index
    %swap3A_75 = tpu.vector_load %arg9[%swap3A_74] {strides = array<i32>} : memref<512xf32, #tpu.memory_space<vmem>>, vector<16xf32>,
    %swap3A_76 = vector.shape_cast %swap3A_75 : vector<16xf32> to vector<16xf32>
    %swap3A_77 = vector.shape_cast %broadcast_in_dim3A_73 : vector<16xf32> to vector<16xf32>
    tpu.vector_store %arg9[%swap3A_74], %swap3A_77 {strides = array<i32>} : memref<512xf32, #tpu.memory_space<vmem>>, vector<16xf32>,
    %broadcast_in_dim3A_78 = arith.constant 0.000000e+00 : f32
    %broadcast_in_dim3A_79 = vector.broadcast %broadcast_in_dim3A_78 : f32 to vector<16xf32>
    %swap3A_80 = arith.constant 192 : index
    %swap3A_81 = tpu.vector_load %arg9[%swap3A_80] {strides = array<i32>} : memref<512xf32, #tpu.memory_space<vmem>>, vector<16xf32>,
    %swap3A_82 = vector.shape_cast %swap3A_81 : vector<16xf32> to vector<16xf32>
    %swap3A_83 = vector.shape_cast %broadcast_in_dim3A_79 : vector<16xf32> to vector<16xf32>
    tpu.vector_store %arg9[%swap3A_80], %swap3A_83 {strides = array<i32>} : memref<512xf32, #tpu.memory_space<vmem>>, vector<16xf32>,
    %broadcast_in_dim3A_84 = arith.constant 0.000000e+00 : f32
    %broadcast_in_dim3A_85 = vector.broadcast %broadcast_in_dim3A_84 : f32 to vector<16xf32>
    %swap3A_86 = arith.constant 208 : index
    %swap3A_87 = tpu.vector_load %arg9[%swap3A_86] {strides = array<i32>} : memref<512xf32, #tpu.memory_space<vmem>>, vector<16xf32>,
    %swap3A_88 = vector.shape_cast %swap3A_87 : vector<16xf32> to vector<16xf32>
    %swap3A_89 = vector.shape_cast %broadcast_in_dim3A_85 : vector<16xf32> to vector<16xf32>
    tpu.vector_store %arg9[%swap3A_86], %swap3A_89 {strides = array<i32>} : memref<512xf32, #tpu.memory_space<vmem>>, vector<16xf32>,
    %broadcast_in_dim3A_90 = arith.constant 0.000000e+00 : f32
    %broadcast_in_dim3A_91 = vector.broadcast %broadcast_in_dim3A_90 : f32 to vector<16xf32>
    %swap3A_92 = arith.constant 224 : index
    %swap3A_93 = tpu.vector_load %arg9[%swap3A_92] {strides = array<i32>} : memref<512xf32, #tpu.memory_space<vmem>>, vector<16xf32>,
    %swap3A_94 = vector.shape_cast %swap3A_93 : vector<16xf32> to vector<16xf32>
    %swap3A_95 = vector.shape_cast %broadcast_in_dim3A_91 : vector<16xf32> to vector<16xf32>
    tpu.vector_store %arg9[%swap3A_92], %swap3A_95 {strides = array<i32>} : memref<512xf32, #tpu.memory_space<vmem>>, vector<16xf32>,
    %broadcast_in_dim3A_96 = arith.constant 0.000000e+00 : f32
    %broadcast_in_dim3A_97 = vector.broadcast %broadcast_in_dim3A_96 : f32 to vector<16xf32>
    %swap3A_98 = arith.constant 240 : index
    %swap3A_99 = tpu.vector_load %arg9[%swap3A_98] {strides = array<i32>} : memref<512xf32, #tpu.memory_space<vmem>>, vector<16xf32>,
    %swap3A_100 = vector.shape_cast %swap3A_99 : vector<16xf32> to vector<16xf32>
    %swap3A_101 = vector.shape_cast %broadcast_in_dim3A_97 : vector<16xf32> to vector<16xf32>
    tpu.vector_store %arg9[%swap3A_98], %swap3A_101 {strides = array<i32>} : memref<512xf32, #tpu.memory_space<vmem>>, vector<16xf32>,
    %broadcast_in_dim3A_102 = arith.constant 0.000000e+00 : f32
    %broadcast_in_dim3A_103 = vector.broadcast %broadcast_in_dim3A_102 : f32 to vector<16xf32>
    %swap3A_104 = arith.constant 256 : index
    %swap3A_105 = tpu.vector_load %arg9[%swap3A_104] {strides = array<i32>} : memref<512xf32, #tpu.memory_space<vmem>>, vector<16xf32>,
    %swap3A_106 = vector.shape_cast %swap3A_105 : vector<16xf32> to vector<16xf32>
    %swap3A_107 = vector.shape_cast %broadcast_in_dim3A_103 : vector<16xf32> to vector<16xf32>
    tpu.vector_store %arg9[%swap3A_104], %swap3A_107 {strides = array<i32>} : memref<512xf32, #tpu.memory_space<vmem>>, vector<16xf32>,
    %broadcast_in_dim3A_108 = arith.constant 0.000000e+00 : f32
    %broadcast_in_dim3A_109 = vector.broadcast %broadcast_in_dim3A_108 : f32 to vector<16xf32>
    %swap3A_110 = arith.constant 272 : index
    %swap3A_111 = tpu.vector_load %arg9[%swap3A_110] {strides = array<i32>} : memref<512xf32, #tpu.memory_space<vmem>>, vector<16xf32>,
    %swap3A_112 = vector.shape_cast %swap3A_111 : vector<16xf32> to vector<16xf32>
    %swap3A_113 = vector.shape_cast %broadcast_in_dim3A_109 : vector<16xf32> to vector<16xf32>
    tpu.vector_store %arg9[%swap3A_110], %swap3A_113 {strides = array<i32>} : memref<512xf32, #tpu.memory_space<vmem>>, vector<16xf32>,
    %broadcast_in_dim3A_114 = arith.constant 0.000000e+00 : f32
    %broadcast_in_dim3A_115 = vector.broadcast %broadcast_in_dim3A_114 : f32 to vector<16xf32>
    %swap3A_116 = arith.constant 288 : index
    %swap3A_117 = tpu.vector_load %arg9[%swap3A_116] {strides = array<i32>} : memref<512xf32, #tpu.memory_space<vmem>>, vector<16xf32>,
    %swap3A_118 = vector.shape_cast %swap3A_117 : vector<16xf32> to vector<16xf32>
    %swap3A_119 = vector.shape_cast %broadcast_in_dim3A_115 : vector<16xf32> to vector<16xf32>
    tpu.vector_store %arg9[%swap3A_116], %swap3A_119 {strides = array<i32>} : memref<512xf32, #tpu.memory_space<vmem>>, vector<16xf32>,
    %broadcast_in_dim3A_120 = arith.constant 0.000000e+00 : f32
    %broadcast_in_dim3A_121 = vector.broadcast %broadcast_in_dim3A_120 : f32 to vector<16xf32>
    %swap3A_122 = arith.constant 304 : index
    %swap3A_123 = tpu.vector_load %arg9[%swap3A_122] {strides = array<i32>} : memref<512xf32, #tpu.memory_space<vmem>>, vector<16xf32>,
    %swap3A_124 = vector.shape_cast %swap3A_123 : vector<16xf32> to vector<16xf32>
    %swap3A_125 = vector.shape_cast %broadcast_in_dim3A_121 : vector<16xf32> to vector<16xf32>
    tpu.vector_store %arg9[%swap3A_122], %swap3A_125 {strides = array<i32>} : memref<512xf32, #tpu.memory_space<vmem>>, vector<16xf32>,
    %broadcast_in_dim3A_126 = arith.constant 0.000000e+00 : f32
    %broadcast_in_dim3A_127 = vector.broadcast %broadcast_in_dim3A_126 : f32 to vector<16xf32>
    %swap3A_128 = arith.constant 320 : index
    %swap3A_129 = tpu.vector_load %arg9[%swap3A_128] {strides = array<i32>} : memref<512xf32, #tpu.memory_space<vmem>>, vector<16xf32>,
    %swap3A_130 = vector.shape_cast %swap3A_129 : vector<16xf32> to vector<16xf32>
    %swap3A_131 = vector.shape_cast %broadcast_in_dim3A_127 : vector<16xf32> to vector<16xf32>
    tpu.vector_store %arg9[%swap3A_128], %swap3A_131 {strides = array<i32>} : memref<512xf32, #tpu.memory_space<vmem>>, vector<16xf32>,
    %broadcast_in_dim3A_132 = arith.constant 0.000000e+00 : f32
    %broadcast_in_dim3A_133 = vector.broadcast %broadcast_in_dim3A_132 : f32 to vector<16xf32>
    %swap3A_134 = arith.constant 336 : index
    %swap3A_135 = tpu.vector_load %arg9[%swap3A_134] {strides = array<i32>} : memref<512xf32, #tpu.memory_space<vmem>>, vector<16xf32>,
    %swap3A_136 = vector.shape_cast %swap3A_135 : vector<16xf32> to vector<16xf32>
    %swap3A_137 = vector.shape_cast %broadcast_in_dim3A_133 : vector<16xf32> to vector<16xf32>
    tpu.vector_store %arg9[%swap3A_134], %swap3A_137 {strides = array<i32>} : memref<512xf32, #tpu.memory_space<vmem>>, vector<16xf32>,
    %broadcast_in_dim3A_138 = arith.constant 0.000000e+00 : f32
    %broadcast_in_dim3A_139 = vector.broadcast %broadcast_in_dim3A_138 : f32 to vector<16xf32>
    %swap3A_140 = arith.constant 352 : index
    %swap3A_141 = tpu.vector_load %arg9[%swap3A_140] {strides = array<i32>} : memref<512xf32, #tpu.memory_space<vmem>>, vector<16xf32>,
    %swap3A_142 = vector.shape_cast %swap3A_141 : vector<16xf32> to vector<16xf32>
    %swap3A_143 = vector.shape_cast %broadcast_in_dim3A_139 : vector<16xf32> to vector<16xf32>
    tpu.vector_store %arg9[%swap3A_140], %swap3A_143 {strides = array<i32>} : memref<512xf32, #tpu.memory_space<vmem>>, vector<16xf32>,
    %broadcast_in_dim3A_144 = arith.constant 0.000000e+00 : f32
    %broadcast_in_dim3A_145 = vector.broadcast %broadcast_in_dim3A_144 : f32 to vector<16xf32>
    %swap3A_146 = arith.constant 368 : index
    %swap3A_147 = tpu.vector_load %arg9[%swap3A_146] {strides = array<i32>} : memref<512xf32, #tpu.memory_space<vmem>>, vector<16xf32>,
    %swap3A_148 = vector.shape_cast %swap3A_147 : vector<16xf32> to vector<16xf32>
    %swap3A_149 = vector.shape_cast %broadcast_in_dim3A_145 : vector<16xf32> to vector<16xf32>
    tpu.vector_store %arg9[%swap3A_146], %swap3A_149 {strides = array<i32>} : memref<512xf32, #tpu.memory_space<vmem>>, vector<16xf32>,
    %broadcast_in_dim3A_150 = arith.constant 0.000000e+00 : f32
    %broadcast_in_dim3A_151 = vector.broadcast %broadcast_in_dim3A_150 : f32 to vector<16xf32>
    %swap3A_152 = arith.constant 384 : index
    %swap3A_153 = tpu.vector_load %arg9[%swap3A_152] {strides = array<i32>} : memref<512xf32, #tpu.memory_space<vmem>>, vector<16xf32>,
    %swap3A_154 = vector.shape_cast %swap3A_153 : vector<16xf32> to vector<16xf32>
    %swap3A_155 = vector.shape_cast %broadcast_in_dim3A_151 : vector<16xf32> to vector<16xf32>
    tpu.vector_store %arg9[%swap3A_152], %swap3A_155 {strides = array<i32>} : memref<512xf32, #tpu.memory_space<vmem>>, vector<16xf32>,
    %broadcast_in_dim3A_156 = arith.constant 0.000000e+00 : f32
    %broadcast_in_dim3A_157 = vector.broadcast %broadcast_in_dim3A_156 : f32 to vector<16xf32>
    %swap3A_158 = arith.constant 400 : index
    %swap3A_159 = tpu.vector_load %arg9[%swap3A_158] {strides = array<i32>} : memref<512xf32, #tpu.memory_space<vmem>>, vector<16xf32>,
    %swap3A_160 = vector.shape_cast %swap3A_159 : vector<16xf32> to vector<16xf32>
    %swap3A_161 = vector.shape_cast %broadcast_in_dim3A_157 : vector<16xf32> to vector<16xf32>
    tpu.vector_store %arg9[%swap3A_158], %swap3A_161 {strides = array<i32>} : memref<512xf32, #tpu.memory_space<vmem>>, vector<16xf32>,
    %broadcast_in_dim3A_162 = arith.constant 0.000000e+00 : f32
    %broadcast_in_dim3A_163 = vector.broadcast %broadcast_in_dim3A_162 : f32 to vector<16xf32>
    %swap3A_164 = arith.constant 416 : index
    %swap3A_165 = tpu.vector_load %arg9[%swap3A_164] {strides = array<i32>} : memref<512xf32, #tpu.memory_space<vmem>>, vector<16xf32>,
    %swap3A_166 = vector.shape_cast %swap3A_165 : vector<16xf32> to vector<16xf32>
    %swap3A_167 = vector.shape_cast %broadcast_in_dim3A_163 : vector<16xf32> to vector<16xf32>
    tpu.vector_store %arg9[%swap3A_164], %swap3A_167 {strides = array<i32>} : memref<512xf32, #tpu.memory_space<vmem>>, vector<16xf32>,
    %broadcast_in_dim3A_168 = arith.constant 0.000000e+00 : f32
    %broadcast_in_dim3A_169 = vector.broadcast %broadcast_in_dim3A_168 : f32 to vector<16xf32>
    %swap3A_170 = arith.constant 432 : index
    %swap3A_171 = tpu.vector_load %arg9[%swap3A_170] {strides = array<i32>} : memref<512xf32, #tpu.memory_space<vmem>>, vector<16xf32>,
    %swap3A_172 = vector.shape_cast %swap3A_171 : vector<16xf32> to vector<16xf32>
    %swap3A_173 = vector.shape_cast %broadcast_in_dim3A_169 : vector<16xf32> to vector<16xf32>
    tpu.vector_store %arg9[%swap3A_170], %swap3A_173 {strides = array<i32>} : memref<512xf32, #tpu.memory_space<vmem>>, vector<16xf32>,
    %broadcast_in_dim3A_174 = arith.constant 0.000000e+00 : f32
    %broadcast_in_dim3A_175 = vector.broadcast %broadcast_in_dim3A_174 : f32 to vector<16xf32>
    %swap3A_176 = arith.constant 448 : index
    %swap3A_177 = tpu.vector_load %arg9[%swap3A_176] {strides = array<i32>} : memref<512xf32, #tpu.memory_space<vmem>>, vector<16xf32>,
    %swap3A_178 = vector.shape_cast %swap3A_177 : vector<16xf32> to vector<16xf32>
    %swap3A_179 = vector.shape_cast %broadcast_in_dim3A_175 : vector<16xf32> to vector<16xf32>
    tpu.vector_store %arg9[%swap3A_176], %swap3A_179 {strides = array<i32>} : memref<512xf32, #tpu.memory_space<vmem>>, vector<16xf32>,
    %broadcast_in_dim3A_180 = arith.constant 0.000000e+00 : f32
    %broadcast_in_dim3A_181 = vector.broadcast %broadcast_in_dim3A_180 : f32 to vector<16xf32>
    %swap3A_182 = arith.constant 464 : index
    %swap3A_183 = tpu.vector_load %arg9[%swap3A_182] {strides = array<i32>} : memref<512xf32, #tpu.memory_space<vmem>>, vector<16xf32>,
    %swap3A_184 = vector.shape_cast %swap3A_183 : vector<16xf32> to vector<16xf32>
    %swap3A_185 = vector.shape_cast %broadcast_in_dim3A_181 : vector<16xf32> to vector<16xf32>
    tpu.vector_store %arg9[%swap3A_182], %swap3A_185 {strides = array<i32>} : memref<512xf32, #tpu.memory_space<vmem>>, vector<16xf32>,
    %broadcast_in_dim3A_186 = arith.constant 0.000000e+00 : f32
    %broadcast_in_dim3A_187 = vector.broadcast %broadcast_in_dim3A_186 : f32 to vector<16xf32>
    %swap3A_188 = arith.constant 480 : index
    %swap3A_189 = tpu.vector_load %arg9[%swap3A_188] {strides = array<i32>} : memref<512xf32, #tpu.memory_space<vmem>>, vector<16xf32>,
    %swap3A_190 = vector.shape_cast %swap3A_189 : vector<16xf32> to vector<16xf32>
    %swap3A_191 = vector.shape_cast %broadcast_in_dim3A_187 : vector<16xf32> to vector<16xf32>
    tpu.vector_store %arg9[%swap3A_188], %swap3A_191 {strides = array<i32>} : memref<512xf32, #tpu.memory_space<vmem>>, vector<16xf32>,
    %broadcast_in_dim3A_192 = arith.constant 0.000000e+00 : f32
    %broadcast_in_dim3A_193 = vector.broadcast %broadcast_in_dim3A_192 : f32 to vector<16xf32>
    %swap3A_194 = arith.constant 496 : index
    %swap3A_195 = tpu.vector_load %arg9[%swap3A_194] {strides = array<i32>} : memref<512xf32, #tpu.memory_space<vmem>>, vector<16xf32>,
    %swap3A_196 = vector.shape_cast %swap3A_195 : vector<16xf32> to vector<16xf32>
    %swap3A_197 = vector.shape_cast %broadcast_in_dim3A_193 : vector<16xf32> to vector<16xf32>
    tpu.vector_store %arg9[%swap3A_194], %swap3A_197 {strides = array<i32>} : memref<512xf32, #tpu.memory_space<vmem>>, vector<16xf32>,
    %mul3A_198 = arith.constant 512 : i32
    %mul3A_199 = arith.muli %arg1, %mul3A_198 : i32
    "tpu.region"() ({
      %run_scoped3A_305 = tpu.sem_alloc : memref<!tpu.dma_semaphore, #tpu.memory_space<semaphore_mem>>
      %dma_start3A_306 = tpu.memref_slice %arg10[%mul3A_199] : memref<8192xf32, #tpu.memory_space<vmem_shared>> -> memref<512xf32, #tpu.memory_space<vmem_shared>>
      %dma_start3A_307 = tpu.memref_slice %arg10[%mul3A_199] : memref<8192xf32, #tpu.memory_space<vmem_shared>> -> memref<512xf32, #tpu.memory_space<vmem_shared>>
      tpu.enqueue_dma source(%arg9 : memref<512xf32, #tpu.memory_space<vmem>>) target(%dma_start3A_307 : memref<512xf32, #tpu.memory_space<vmem_shared>>) target_semaphore(%run_scoped3A_305 : memref<!tpu.dma_semaphore, #tpu.memory_space<semaphore_mem>>)
      %dma_wait3A_308 = tpu.memref_slice %arg10[%mul3A_199] : memref<8192xf32, #tpu.memory_space<vmem_shared>> -> memref<512xf32, #tpu.memory_space<vmem_shared>>
      %dma_wait3A_309 = tpu.memref_slice %arg10[%mul3A_199] : memref<8192xf32, #tpu.memory_space<vmem_shared>> -> memref<512xf32, #tpu.memory_space<vmem_shared>>
      tpu.wait_dma2 semaphore(%run_scoped3A_305 : memref<!tpu.dma_semaphore, #tpu.memory_space<semaphore_mem>>) src(%arg9 : memref<512xf32, #tpu.memory_space<vmem>>) dst(%dma_wait3A_309 : memref<512xf32, #tpu.memory_space<vmem_shared>>)
      tpu.yield
    }) : () -> ()
    %broadcast_in_dim3A_200 = arith.constant 1.000000e+00 : f32
    %broadcast_in_dim3A_201 = vector.broadcast %broadcast_in_dim3A_200 : f32 to vector<16xf32>
    %swap3A_202 = arith.constant 0 : index
    %swap3A_203 = tpu.vector_load %arg8[%swap3A_202] {strides = array<i32>} : memref<128xf32, #tpu.memory_space<vmem>>, vector<16xf32>,
    %swap3A_204 = vector.shape_cast %swap3A_203 : vector<16xf32> to vector<16xf32>
    %swap3A_205 = vector.shape_cast %broadcast_in_dim3A_201 : vector<16xf32> to vector<16xf32>
    tpu.vector_store %arg8[%swap3A_202], %swap3A_205 {strides = array<i32>} : memref<128xf32, #tpu.memory_space<vmem>>, vector<16xf32>,
    %broadcast_in_dim3A_206 = arith.constant 1.000000e+00 : f32
    %broadcast_in_dim3A_207 = vector.broadcast %broadcast_in_dim3A_206 : f32 to vector<16xf32>
    %swap3A_208 = arith.constant 16 : index
    %swap3A_209 = tpu.vector_load %arg8[%swap3A_208] {strides = array<i32>} : memref<128xf32, #tpu.memory_space<vmem>>, vector<16xf32>,
    %swap3A_210 = vector.shape_cast %swap3A_209 : vector<16xf32> to vector<16xf32>
    %swap3A_211 = vector.shape_cast %broadcast_in_dim3A_207 : vector<16xf32> to vector<16xf32>
    tpu.vector_store %arg8[%swap3A_208], %swap3A_211 {strides = array<i32>} : memref<128xf32, #tpu.memory_space<vmem>>, vector<16xf32>,
    %broadcast_in_dim3A_212 = arith.constant 1.000000e+00 : f32
    %broadcast_in_dim3A_213 = vector.broadcast %broadcast_in_dim3A_212 : f32 to vector<16xf32>
    %swap3A_214 = arith.constant 32 : index
    %swap3A_215 = tpu.vector_load %arg8[%swap3A_214] {strides = array<i32>} : memref<128xf32, #tpu.memory_space<vmem>>, vector<16xf32>,
    %swap3A_216 = vector.shape_cast %swap3A_215 : vector<16xf32> to vector<16xf32>
    %swap3A_217 = vector.shape_cast %broadcast_in_dim3A_213 : vector<16xf32> to vector<16xf32>
    tpu.vector_store %arg8[%swap3A_214], %swap3A_217 {strides = array<i32>} : memref<128xf32, #tpu.memory_space<vmem>>, vector<16xf32>,
    %broadcast_in_dim3A_218 = arith.constant 1.000000e+00 : f32
    %broadcast_in_dim3A_219 = vector.broadcast %broadcast_in_dim3A_218 : f32 to vector<16xf32>
    %swap3A_220 = arith.constant 48 : index
    %swap3A_221 = tpu.vector_load %arg8[%swap3A_220] {strides = array<i32>} : memref<128xf32, #tpu.memory_space<vmem>>, vector<16xf32>,
    %swap3A_222 = vector.shape_cast %swap3A_221 : vector<16xf32> to vector<16xf32>
    %swap3A_223 = vector.shape_cast %broadcast_in_dim3A_219 : vector<16xf32> to vector<16xf32>
    tpu.vector_store %arg8[%swap3A_220], %swap3A_223 {strides = array<i32>} : memref<128xf32, #tpu.memory_space<vmem>>, vector<16xf32>,
    %broadcast_in_dim3A_224 = arith.constant 1.000000e+00 : f32
    %broadcast_in_dim3A_225 = vector.broadcast %broadcast_in_dim3A_224 : f32 to vector<16xf32>
    %swap3A_226 = arith.constant 64 : index
    %swap3A_227 = tpu.vector_load %arg8[%swap3A_226] {strides = array<i32>} : memref<128xf32, #tpu.memory_space<vmem>>, vector<16xf32>,
    %swap3A_228 = vector.shape_cast %swap3A_227 : vector<16xf32> to vector<16xf32>
    %swap3A_229 = vector.shape_cast %broadcast_in_dim3A_225 : vector<16xf32> to vector<16xf32>
    tpu.vector_store %arg8[%swap3A_226], %swap3A_229 {strides = array<i32>} : memref<128xf32, #tpu.memory_space<vmem>>, vector<16xf32>,
    %broadcast_in_dim3A_230 = arith.constant 1.000000e+00 : f32
    %broadcast_in_dim3A_231 = vector.broadcast %broadcast_in_dim3A_230 : f32 to vector<16xf32>
    %swap3A_232 = arith.constant 80 : index
    %swap3A_233 = tpu.vector_load %arg8[%swap3A_232] {strides = array<i32>} : memref<128xf32, #tpu.memory_space<vmem>>, vector<16xf32>,
    %swap3A_234 = vector.shape_cast %swap3A_233 : vector<16xf32> to vector<16xf32>
    %swap3A_235 = vector.shape_cast %broadcast_in_dim3A_231 : vector<16xf32> to vector<16xf32>
    tpu.vector_store %arg8[%swap3A_232], %swap3A_235 {strides = array<i32>} : memref<128xf32, #tpu.memory_space<vmem>>, vector<16xf32>,
    %broadcast_in_dim3A_236 = arith.constant 1.000000e+00 : f32
    %broadcast_in_dim3A_237 = vector.broadcast %broadcast_in_dim3A_236 : f32 to vector<16xf32>
    %swap3A_238 = arith.constant 96 : index
    %swap3A_239 = tpu.vector_load %arg8[%swap3A_238] {strides = array<i32>} : memref<128xf32, #tpu.memory_space<vmem>>, vector<16xf32>,
    %swap3A_240 = vector.shape_cast %swap3A_239 : vector<16xf32> to vector<16xf32>
    %swap3A_241 = vector.shape_cast %broadcast_in_dim3A_237 : vector<16xf32> to vector<16xf32>
    tpu.vector_store %arg8[%swap3A_238], %swap3A_241 {strides = array<i32>} : memref<128xf32, #tpu.memory_space<vmem>>, vector<16xf32>,
    %broadcast_in_dim3A_242 = arith.constant 1.000000e+00 : f32
    %broadcast_in_dim3A_243 = vector.broadcast %broadcast_in_dim3A_242 : f32 to vector<16xf32>
    %swap3A_244 = arith.constant 112 : index
    %swap3A_245 = tpu.vector_load %arg8[%swap3A_244] {strides = array<i32>} : memref<128xf32, #tpu.memory_space<vmem>>, vector<16xf32>,
    %swap3A_246 = vector.shape_cast %swap3A_245 : vector<16xf32> to vector<16xf32>
    %swap3A_247 = vector.shape_cast %broadcast_in_dim3A_243 : vector<16xf32> to vector<16xf32>
    tpu.vector_store %arg8[%swap3A_244], %swap3A_247 {strides = array<i32>} : memref<128xf32, #tpu.memory_space<vmem>>, vector<16xf32>,
    %dma_start3A = arith.constant 0 : i32
    %dma_start3A_248 = arith.constant 0 : i32
    %dma_start3A_249 = arith.constant 0 : i32
    %dma_start3A_250 = arith.constant 0 : i32
    %dma_start3A_251 = tpu.memref_slice %arg7[%dma_start3A_248, %dma_start3A_249, %dma_start3A_250] : memref<2x128x32xf32, #tpu.memory_space<vmem>> -> memref<1x128x32xf32, #tpu.memory_space<vmem>>
    %dma_start3A_252 = tpu.memref_squeeze %dma_start3A_251 : memref<1x128x32xf32, #tpu.memory_space<vmem>> -> memref<128x32xf32, #tpu.memory_space<vmem>>
    %dma_start3A_253 = arith.constant 0 : i32
    %dma_start3A_254 = tpu.memref_slice %arg6[%dma_start3A, %dma_start3A_253] : memref<2x128xi32, #tpu.memory_space<vmem>> -> memref<1x128xi32, #tpu.memory_space<vmem>>
    %dma_start3A_255 = tpu.memref_squeeze %dma_start3A_254 : memref<1x128xi32, #tpu.memory_space<vmem>> -> memref<128xi32, #tpu.memory_space<vmem>>
    %dma_start3A_256 = arith.constant 0 : i32
    %dma_start3A_257 = arith.constant 0 : i32
    %dma_start3A_258 = tpu.memref_slice %arg3[%dma_start3A_256, %dma_start3A_257] : memref<8192x32xf32, #tpu.memory_space<hbm>> -> memref<8192x32xf32, #tpu.memory_space<hbm>>
    tpu.enqueue_indirect_dma source(%dma_start3A_258 : memref<8192x32xf32, #tpu.memory_space<hbm>>) target(%dma_start3A_252 : memref<128x32xf32, #tpu.memory_space<vmem>>) offsets(%dma_start3A_255 : memref<128xi32, #tpu.memory_space<vmem>>) semaphore(%arg11 : memref<!tpu.dma_semaphore, #tpu.memory_space<semaphore_mem>>)
    %dma_wait3A = arith.constant 0 : i32
    %dma_wait3A_259 = arith.constant 0 : i32
    %dma_wait3A_260 = arith.constant 0 : i32
    %dma_wait3A_261 = arith.constant 0 : i32
    %dma_wait3A_262 = tpu.memref_slice %arg7[%dma_wait3A_259, %dma_wait3A_260, %dma_wait3A_261] : memref<2x128x32xf32, #tpu.memory_space<vmem>> -> memref<1x128x32xf32, #tpu.memory_space<vmem>>
    %dma_wait3A_263 = tpu.memref_squeeze %dma_wait3A_262 : memref<1x128x32xf32, #tpu.memory_space<vmem>> -> memref<128x32xf32, #tpu.memory_space<vmem>>
    %dma_wait3A_264 = arith.constant 0 : i32
    %dma_wait3A_265 = tpu.memref_slice %arg6[%dma_wait3A, %dma_wait3A_264] : memref<2x128xi32, #tpu.memory_space<vmem>> -> memref<1x128xi32, #tpu.memory_space<vmem>>
    %dma_wait3A_266 = tpu.memref_squeeze %dma_wait3A_265 : memref<1x128xi32, #tpu.memory_space<vmem>> -> memref<128xi32, #tpu.memory_space<vmem>>
    %dma_wait3A_267 = arith.constant 0 : i32
    %dma_wait3A_268 = arith.constant 0 : i32
    %dma_wait3A_269 = tpu.memref_slice %arg3[%dma_wait3A_267, %dma_wait3A_268] : memref<8192x32xf32, #tpu.memory_space<hbm>> -> memref<8192x32xf32, #tpu.memory_space<hbm>>
    tpu.wait_indirect_dma semaphore(%arg11 : memref<!tpu.dma_semaphore, #tpu.memory_space<semaphore_mem>>) src(%dma_wait3A_269 : memref<8192x32xf32, #tpu.memory_space<hbm>>) dst(%dma_wait3A_263 : memref<128x32xf32, #tpu.memory_space<vmem>>)
    %add3A_270 = arith.constant 0 : i32
    %add3A_271 = arith.addi %mul3A_2, %add3A_270 : i32
    %run_scoped3A_272 = arith.constant 0 : i32
    "tpu.region"() ({
      %run_scoped3A_305 = tpu.sem_alloc : memref<!tpu.dma_semaphore, #tpu.memory_space<semaphore_mem>>
      %dma_start3A_306 = arith.constant 0 : i32
      %dma_start3A_307 = arith.constant 0 : i32
      %dma_start3A_308 = tpu.memref_slice %arg7[%run_scoped3A_272, %dma_start3A_306, %dma_start3A_307] : memref<2x128x32xf32, #tpu.memory_space<vmem>> -> memref<1x128x32xf32, #tpu.memory_space<vmem>>
      %dma_start3A_309 = tpu.memref_squeeze %dma_start3A_308 : memref<1x128x32xf32, #tpu.memory_space<vmem>> -> memref<128x32xf32, #tpu.memory_space<vmem>>
      %dma_start3A_310 = arith.constant 0 : i32
      %dma_start3A_311 = tpu.memref_slice %arg4[%add3A_271, %dma_start3A_310] : memref<8192x32xf32, #tpu.memory_space<hbm>> -> memref<128x32xf32, #tpu.memory_space<hbm>>
      %dma_start3A_312 = arith.constant 0 : i32
      %dma_start3A_313 = tpu.memref_slice %arg4[%add3A_271, %dma_start3A_312] : memref<8192x32xf32, #tpu.memory_space<hbm>> -> memref<128x32xf32, #tpu.memory_space<hbm>>
      %dma_start3A_314 = arith.constant 0 : i32
      %dma_start3A_315 = arith.constant 0 : i32
      %dma_start3A_316 = tpu.memref_slice %arg7[%run_scoped3A_272, %dma_start3A_314, %dma_start3A_315] : memref<2x128x32xf32, #tpu.memory_space<vmem>> -> memref<1x128x32xf32, #tpu.memory_space<vmem>>
      %dma_start3A_317 = tpu.memref_squeeze %dma_start3A_316 : memref<1x128x32xf32, #tpu.memory_space<vmem>> -> memref<128x32xf32, #tpu.memory_space<vmem>>
      tpu.enqueue_dma source(%dma_start3A_317 : memref<128x32xf32, #tpu.memory_space<vmem>>) target(%dma_start3A_313 : memref<128x32xf32, #tpu.memory_space<hbm>>) target_semaphore(%run_scoped3A_305 : memref<!tpu.dma_semaphore, #tpu.memory_space<semaphore_mem>>)
      %dma_wait3A_318 = arith.constant 0 : i32
      %dma_wait3A_319 = arith.constant 0 : i32
      %dma_wait3A_320 = tpu.memref_slice %arg7[%run_scoped3A_272, %dma_wait3A_318, %dma_wait3A_319] : memref<2x128x32xf32, #tpu.memory_space<vmem>> -> memref<1x128x32xf32, #tpu.memory_space<vmem>>
      %dma_wait3A_321 = tpu.memref_squeeze %dma_wait3A_320 : memref<1x128x32xf32, #tpu.memory_space<vmem>> -> memref<128x32xf32, #tpu.memory_space<vmem>>
      %dma_wait3A_322 = arith.constant 0 : i32
      %dma_wait3A_323 = tpu.memref_slice %arg4[%add3A_271, %dma_wait3A_322] : memref<8192x32xf32, #tpu.memory_space<hbm>> -> memref<128x32xf32, #tpu.memory_space<hbm>>
      %dma_wait3A_324 = arith.constant 0 : i32
      %dma_wait3A_325 = tpu.memref_slice %arg4[%add3A_271, %dma_wait3A_324] : memref<8192x32xf32, #tpu.memory_space<hbm>> -> memref<128x32xf32, #tpu.memory_space<hbm>>
      %dma_wait3A_326 = arith.constant 0 : i32
      %dma_wait3A_327 = arith.constant 0 : i32
      %dma_wait3A_328 = tpu.memref_slice %arg7[%run_scoped3A_272, %dma_wait3A_326, %dma_wait3A_327] : memref<2x128x32xf32, #tpu.memory_space<vmem>> -> memref<1x128x32xf32, #tpu.memory_space<vmem>>
      %dma_wait3A_329 = tpu.memref_squeeze %dma_wait3A_328 : memref<1x128x32xf32, #tpu.memory_space<vmem>> -> memref<128x32xf32, #tpu.memory_space<vmem>>
      tpu.wait_dma2 semaphore(%run_scoped3A_305 : memref<!tpu.dma_semaphore, #tpu.memory_space<semaphore_mem>>) src(%dma_wait3A_329 : memref<128x32xf32, #tpu.memory_space<vmem>>) dst(%dma_wait3A_325 : memref<128x32xf32, #tpu.memory_space<hbm>>)
      tpu.yield
    }) : () -> ()
    %dma_start3A_273 = arith.constant 1 : i32
    %dma_start3A_274 = arith.constant 1 : i32
    %dma_start3A_275 = arith.constant 0 : i32
    %dma_start3A_276 = arith.constant 0 : i32
    %dma_start3A_277 = tpu.memref_slice %arg7[%dma_start3A_274, %dma_start3A_275, %dma_start3A_276] : memref<2x128x32xf32, #tpu.memory_space<vmem>> -> memref<1x128x32xf32, #tpu.memory_space<vmem>>
    %dma_start3A_278 = tpu.memref_squeeze %dma_start3A_277 : memref<1x128x32xf32, #tpu.memory_space<vmem>> -> memref<128x32xf32, #tpu.memory_space<vmem>>
    %dma_start3A_279 = arith.constant 0 : i32
    %dma_start3A_280 = tpu.memref_slice %arg6[%dma_start3A_273, %dma_start3A_279] : memref<2x128xi32, #tpu.memory_space<vmem>> -> memref<1x128xi32, #tpu.memory_space<vmem>>
    %dma_start3A_281 = tpu.memref_squeeze %dma_start3A_280 : memref<1x128xi32, #tpu.memory_space<vmem>> -> memref<128xi32, #tpu.memory_space<vmem>>
    %dma_start3A_282 = arith.constant 0 : i32
    %dma_start3A_283 = arith.constant 0 : i32
    %dma_start3A_284 = tpu.memref_slice %arg3[%dma_start3A_282, %dma_start3A_283] : memref<8192x32xf32, #tpu.memory_space<hbm>> -> memref<8192x32xf32, #tpu.memory_space<hbm>>
    tpu.enqueue_indirect_dma source(%dma_start3A_284 : memref<8192x32xf32, #tpu.memory_space<hbm>>) target(%dma_start3A_278 : memref<128x32xf32, #tpu.memory_space<vmem>>) offsets(%dma_start3A_281 : memref<128xi32, #tpu.memory_space<vmem>>) semaphore(%arg11 : memref<!tpu.dma_semaphore, #tpu.memory_space<semaphore_mem>>)
    %dma_wait3A_285 = arith.constant 1 : i32
    %dma_wait3A_286 = arith.constant 1 : i32
    %dma_wait3A_287 = arith.constant 0 : i32
    %dma_wait3A_288 = arith.constant 0 : i32
    %dma_wait3A_289 = tpu.memref_slice %arg7[%dma_wait3A_286, %dma_wait3A_287, %dma_wait3A_288] : memref<2x128x32xf32, #tpu.memory_space<vmem>> -> memref<1x128x32xf32, #tpu.memory_space<vmem>>
    %dma_wait3A_290 = tpu.memref_squeeze %dma_wait3A_289 : memref<1x128x32xf32, #tpu.memory_space<vmem>> -> memref<128x32xf32, #tpu.memory_space<vmem>>
    %dma_wait3A_291 = arith.constant 0 : i32
    %dma_wait3A_292 = tpu.memref_slice %arg6[%dma_wait3A_285, %dma_wait3A_291] : memref<2x128xi32, #tpu.memory_space<vmem>> -> memref<1x128xi32, #tpu.memory_space<vmem>>
    %dma_wait3A_293 = tpu.memref_squeeze %dma_wait3A_292 : memref<1x128xi32, #tpu.memory_space<vmem>> -> memref<128xi32, #tpu.memory_space<vmem>>
    %dma_wait3A_294 = arith.constant 0 : i32
    %dma_wait3A_295 = arith.constant 0 : i32
    %dma_wait3A_296 = tpu.memref_slice %arg3[%dma_wait3A_294, %dma_wait3A_295] : memref<8192x32xf32, #tpu.memory_space<hbm>> -> memref<8192x32xf32, #tpu.memory_space<hbm>>
    tpu.wait_indirect_dma semaphore(%arg11 : memref<!tpu.dma_semaphore, #tpu.memory_space<semaphore_mem>>) src(%dma_wait3A_296 : memref<8192x32xf32, #tpu.memory_space<hbm>>) dst(%dma_wait3A_290 : memref<128x32xf32, #tpu.memory_space<vmem>>)
    %add3A_297 = arith.constant 128 : i32
    %add3A_298 = arith.addi %mul3A_2, %add3A_297 : i32
    %run_scoped3A_299 = arith.constant 1 : i32
    "tpu.region"() ({
      %run_scoped3A_305 = tpu.sem_alloc : memref<!tpu.dma_semaphore, #tpu.memory_space<semaphore_mem>>
      %dma_start3A_306 = arith.constant 0 : i32
      %dma_start3A_307 = arith.constant 0 : i32
      %dma_start3A_308 = tpu.memref_slice %arg7[%run_scoped3A_299, %dma_start3A_306, %dma_start3A_307] : memref<2x128x32xf32, #tpu.memory_space<vmem>> -> memref<1x128x32xf32, #tpu.memory_space<vmem>>
      %dma_start3A_309 = tpu.memref_squeeze %dma_start3A_308 : memref<1x128x32xf32, #tpu.memory_space<vmem>> -> memref<128x32xf32, #tpu.memory_space<vmem>>
      %dma_start3A_310 = arith.constant 0 : i32
      %dma_start3A_311 = tpu.memref_slice %arg4[%add3A_298, %dma_start3A_310] : memref<8192x32xf32, #tpu.memory_space<hbm>> -> memref<128x32xf32, #tpu.memory_space<hbm>>
      %dma_start3A_312 = arith.constant 0 : i32
      %dma_start3A_313 = tpu.memref_slice %arg4[%add3A_298, %dma_start3A_312] : memref<8192x32xf32, #tpu.memory_space<hbm>> -> memref<128x32xf32, #tpu.memory_space<hbm>>
      %dma_start3A_314 = arith.constant 0 : i32
      %dma_start3A_315 = arith.constant 0 : i32
      %dma_start3A_316 = tpu.memref_slice %arg7[%run_scoped3A_299, %dma_start3A_314, %dma_start3A_315] : memref<2x128x32xf32, #tpu.memory_space<vmem>> -> memref<1x128x32xf32, #tpu.memory_space<vmem>>
      %dma_start3A_317 = tpu.memref_squeeze %dma_start3A_316 : memref<1x128x32xf32, #tpu.memory_space<vmem>> -> memref<128x32xf32, #tpu.memory_space<vmem>>
      tpu.enqueue_dma source(%dma_start3A_317 : memref<128x32xf32, #tpu.memory_space<vmem>>) target(%dma_start3A_313 : memref<128x32xf32, #tpu.memory_space<hbm>>) target_semaphore(%run_scoped3A_305 : memref<!tpu.dma_semaphore, #tpu.memory_space<semaphore_mem>>)
      %dma_wait3A_318 = arith.constant 0 : i32
      %dma_wait3A_319 = arith.constant 0 : i32
      %dma_wait3A_320 = tpu.memref_slice %arg7[%run_scoped3A_299, %dma_wait3A_318, %dma_wait3A_319] : memref<2x128x32xf32, #tpu.memory_space<vmem>> -> memref<1x128x32xf32, #tpu.memory_space<vmem>>
      %dma_wait3A_321 = tpu.memref_squeeze %dma_wait3A_320 : memref<1x128x32xf32, #tpu.memory_space<vmem>> -> memref<128x32xf32, #tpu.memory_space<vmem>>
      %dma_wait3A_322 = arith.constant 0 : i32
      %dma_wait3A_323 = tpu.memref_slice %arg4[%add3A_298, %dma_wait3A_322] : memref<8192x32xf32, #tpu.memory_space<hbm>> -> memref<128x32xf32, #tpu.memory_space<hbm>>
      %dma_wait3A_324 = arith.constant 0 : i32
      %dma_wait3A_325 = tpu.memref_slice %arg4[%add3A_298, %dma_wait3A_324] : memref<8192x32xf32, #tpu.memory_space<hbm>> -> memref<128x32xf32, #tpu.memory_space<hbm>>
      %dma_wait3A_326 = arith.constant 0 : i32
      %dma_wait3A_327 = arith.constant 0 : i32
      %dma_wait3A_328 = tpu.memref_slice %arg7[%run_scoped3A_299, %dma_wait3A_326, %dma_wait3A_327] : memref<2x128x32xf32, #tpu.memory_space<vmem>> -> memref<1x128x32xf32, #tpu.memory_space<vmem>>
      %dma_wait3A_329 = tpu.memref_squeeze %dma_wait3A_328 : memref<1x128x32xf32, #tpu.memory_space<vmem>> -> memref<128x32xf32, #tpu.memory_space<vmem>>
      tpu.wait_dma2 semaphore(%run_scoped3A_305 : memref<!tpu.dma_semaphore, #tpu.memory_space<semaphore_mem>>) src(%dma_wait3A_329 : memref<128x32xf32, #tpu.memory_space<vmem>>) dst(%dma_wait3A_325 : memref<128x32xf32, #tpu.memory_space<hbm>>)
      tpu.yield
    }) : () -> ()
    %barrier3A = arith.constant 0 : index
    tpu.barrier barrier_id(%barrier3A)
    %run_scoped3A_300 = arith.constant 0 : i32
    "tpu.region"() ({
      %run_scoped3A_305 = tpu.sem_alloc : memref<!tpu.dma_semaphore, #tpu.memory_space<semaphore_mem>>
      %dma_start3A_306 = arith.constant 0 : i32
      %dma_start3A_307 = tpu.memref_slice %arg6[%run_scoped3A_300, %dma_start3A_306] : memref<2x128xi32, #tpu.memory_space<vmem>> -> memref<1x128xi32, #tpu.memory_space<vmem>>
      %dma_start3A_308 = tpu.memref_squeeze %dma_start3A_307 : memref<1x128xi32, #tpu.memory_space<vmem>> -> memref<128xi32, #tpu.memory_space<vmem>>
      %dma_start3A_309 = arith.constant 0 : i32
      %dma_start3A_310 = tpu.memref_slice %arg10[%dma_start3A_309] : memref<8192xf32, #tpu.memory_space<vmem_shared>> -> memref<8192xf32, #tpu.memory_space<vmem_shared>>
      tpu.enqueue_indirect_dma source(%arg8 : memref<128xf32, #tpu.memory_space<vmem>>) target(%dma_start3A_310 : memref<8192xf32, #tpu.memory_space<vmem_shared>>) offsets(%dma_start3A_308 : memref<128xi32, #tpu.memory_space<vmem>>) semaphore(%run_scoped3A_305 : memref<!tpu.dma_semaphore, #tpu.memory_space<semaphore_mem>>) {add = true}
      %dma_wait3A_311 = arith.constant 0 : i32
      %dma_wait3A_312 = tpu.memref_slice %arg6[%run_scoped3A_300, %dma_wait3A_311] : memref<2x128xi32, #tpu.memory_space<vmem>> -> memref<1x128xi32, #tpu.memory_space<vmem>>
      %dma_wait3A_313 = tpu.memref_squeeze %dma_wait3A_312 : memref<1x128xi32, #tpu.memory_space<vmem>> -> memref<128xi32, #tpu.memory_space<vmem>>
      %dma_wait3A_314 = arith.constant 0 : i32
      %dma_wait3A_315 = tpu.memref_slice %arg10[%dma_wait3A_314] : memref<8192xf32, #tpu.memory_space<vmem_shared>> -> memref<8192xf32, #tpu.memory_space<vmem_shared>>
      tpu.wait_indirect_dma semaphore(%run_scoped3A_305 : memref<!tpu.dma_semaphore, #tpu.memory_space<semaphore_mem>>) src(%arg8 : memref<128xf32, #tpu.memory_space<vmem>>) dst(%dma_wait3A_315 : memref<8192xf32, #tpu.memory_space<vmem_shared>>)
      tpu.yield
    }) : () -> ()
    %run_scoped3A_301 = arith.constant 1 : i32
    "tpu.region"() ({
      %run_scoped3A_305 = tpu.sem_alloc : memref<!tpu.dma_semaphore, #tpu.memory_space<semaphore_mem>>
      %dma_start3A_306 = arith.constant 0 : i32
      %dma_start3A_307 = tpu.memref_slice %arg6[%run_scoped3A_301, %dma_start3A_306] : memref<2x128xi32, #tpu.memory_space<vmem>> -> memref<1x128xi32, #tpu.memory_space<vmem>>
      %dma_start3A_308 = tpu.memref_squeeze %dma_start3A_307 : memref<1x128xi32, #tpu.memory_space<vmem>> -> memref<128xi32, #tpu.memory_space<vmem>>
      %dma_start3A_309 = arith.constant 0 : i32
      %dma_start3A_310 = tpu.memref_slice %arg10[%dma_start3A_309] : memref<8192xf32, #tpu.memory_space<vmem_shared>> -> memref<8192xf32, #tpu.memory_space<vmem_shared>>
      tpu.enqueue_indirect_dma source(%arg8 : memref<128xf32, #tpu.memory_space<vmem>>) target(%dma_start3A_310 : memref<8192xf32, #tpu.memory_space<vmem_shared>>) offsets(%dma_start3A_308 : memref<128xi32, #tpu.memory_space<vmem>>) semaphore(%run_scoped3A_305 : memref<!tpu.dma_semaphore, #tpu.memory_space<semaphore_mem>>) {add = true}
      %dma_wait3A_311 = arith.constant 0 : i32
      %dma_wait3A_312 = tpu.memref_slice %arg6[%run_scoped3A_301, %dma_wait3A_311] : memref<2x128xi32, #tpu.memory_space<vmem>> -> memref<1x128xi32, #tpu.memory_space<vmem>>
      %dma_wait3A_313 = tpu.memref_squeeze %dma_wait3A_312 : memref<1x128xi32, #tpu.memory_space<vmem>> -> memref<128xi32, #tpu.memory_space<vmem>>
      %dma_wait3A_314 = arith.constant 0 : i32
      %dma_wait3A_315 = tpu.memref_slice %arg10[%dma_wait3A_314] : memref<8192xf32, #tpu.memory_space<vmem_shared>> -> memref<8192xf32, #tpu.memory_space<vmem_shared>>
      tpu.wait_indirect_dma semaphore(%run_scoped3A_305 : memref<!tpu.dma_semaphore, #tpu.memory_space<semaphore_mem>>) src(%arg8 : memref<128xf32, #tpu.memory_space<vmem>>) dst(%dma_wait3A_315 : memref<8192xf32, #tpu.memory_space<vmem_shared>>)
      tpu.yield
    }) : () -> ()
    %barrier3A_302 = arith.constant 0 : index
    tpu.barrier barrier_id(%barrier3A_302)
    %eq3A = arith.constant 0 : i32
    %eq3A_303 = arith.cmpi eq, %arg1, %eq3A : i32
    %convert_element_type3A = arith.extui %eq3A_303 : i1 to i32
    %cond3A = arith.constant 0 : i32
    %cond3A_304 = arith.cmpi ne, %convert_element_type3A, %cond3A : i32
    scf.if %cond3A_304 {
      "tpu.region"() ({
        %run_scoped3A_305 = tpu.sem_alloc : memref<!tpu.dma_semaphore, #tpu.memory_space<semaphore_mem>>
        %dma_start3A_306 = arith.constant 0 : i32
        %dma_start3A_307 = tpu.memref_slice %arg5[%arg0, %dma_start3A_306] : memref<2x8192xf32, #tpu.memory_space<hbm>> -> memref<1x8192xf32, #tpu.memory_space<hbm>>
        %dma_start3A_308 = tpu.memref_squeeze %dma_start3A_307 : memref<1x8192xf32, #tpu.memory_space<hbm>> -> memref<8192xf32, #tpu.memory_space<hbm>>
        tpu.enqueue_dma source(%arg10 : memref<8192xf32, #tpu.memory_space<vmem_shared>>) target(%dma_start3A_308 : memref<8192xf32, #tpu.memory_space<hbm>>) target_semaphore(%run_scoped3A_305 : memref<!tpu.dma_semaphore, #tpu.memory_space<semaphore_mem>>)
        %dma_wait3A_309 = arith.constant 0 : i32
        %dma_wait3A_310 = tpu.memref_slice %arg5[%arg0, %dma_wait3A_309] : memref<2x8192xf32, #tpu.memory_space<hbm>> -> memref<1x8192xf32, #tpu.memory_space<hbm>>
        %dma_wait3A_311 = tpu.memref_squeeze %dma_wait3A_310 : memref<1x8192xf32, #tpu.memory_space<hbm>> -> memref<8192xf32, #tpu.memory_space<hbm>>
        tpu.wait_dma2 semaphore(%run_scoped3A_305 : memref<!tpu.dma_semaphore, #tpu.memory_space<semaphore_mem>>) src(%arg10 : memref<8192xf32, #tpu.memory_space<vmem_shared>>) dst(%dma_wait3A_311 : memref<8192xf32, #tpu.memory_space<hbm>>)
        tpu.yield
      }) : () -> ()
    } else {
    }
    return
  }
}

module attributes {stable_mosaic.version = 14 : i64} {
  func.func @_argmin_body(%arg0: i32, %arg1: memref<1x32x256xf32, #tpu.memory_space<vmem>>, %arg2: memref<32x8192xf32, #tpu.memory_space<vmem>>, %arg3: memref<1x1x256xi32, #tpu.memory_space<vmem>>, %arg4: memref<256x32xf32, #tpu.memory_space<vmem>>) attributes {dimension_semantics = [#tpu.dimension_semantics<arbitrary>], iteration_bounds = array<i64: 32>, scalar_prefetch = 0 : i64, scratch_operands = 0 : i64, tpu.core_type = #tpu.core_type<tc>, window_params = [{transform_indices = @transform_0, window_bounds = array<i64: 1, 32, 256>}, {pipeline_mode = #tpu.pipeline_mode<synchronous>, transform_indices = @transform_1, window_bounds = array<i64: 32, 8192>}, {transform_indices = @transform_2, window_bounds = array<i64: 1, 1, 256>}, {transform_indices = @transform_3, window_bounds = array<i64: 256, 32>}]} {
    %get3A = arith.constant 0 : index
    %get3A_0 = arith.constant 0 : index
    %get3A_1 = arith.constant 0 : index
    %get3A_2 = vector.load %arg1[%get3A, %get3A_0, %get3A_1] : memref<1x32x256xf32, #tpu.memory_space<vmem>>, vector<1x32x256xf32>
    %get3A_3 = vector.shape_cast %get3A_2 : vector<1x32x256xf32> to vector<32x256xf32>
    %transpose3A = tpu.transpose %get3A_3, [1, 0] : vector<32x256xf32> -> vector<256x32xf32>
    %mul3A = arith.mulf %transpose3A, %transpose3A : vector<256x32xf32>
    %reduce_sum3A = arith.constant dense<0.000000e+00> : vector<256xf32>
    %reduce_sum3A_4 = vector.multi_reduction <add>, %mul3A, %reduce_sum3A [1] : vector<256x32xf32> to vector<256xf32>
    %broadcast_in_dim3A = vector.shape_cast %reduce_sum3A_4 : vector<256xf32> to vector<256x1xf32>
    %sqrt3A = math.sqrt %broadcast_in_dim3A : vector<256x1xf32>
    %max3A = arith.constant 9.99999996E-13 : f32
    %max3A_5 = vector.broadcast %max3A : f32 to vector<256x1xf32>
    %max3A_6 = arith.maximumf %sqrt3A, %max3A_5 : vector<256x1xf32>
    %div3A = vector.broadcast %max3A_6 : vector<256x1xf32> to vector<256x32xf32>
    %div3A_7 = arith.divf %transpose3A, %div3A : vector<256x32xf32>
    %swap3A = arith.constant 0 : index
    %swap3A_8 = arith.constant 0 : index
    %swap3A_9 = vector.load %arg4[%swap3A, %swap3A_8] : memref<256x32xf32, #tpu.memory_space<vmem>>, vector<256x32xf32>
    tpu.vector_store %arg4[%swap3A, %swap3A_8], %div3A_7 {strides = array<i32>} : memref<256x32xf32, #tpu.memory_space<vmem>>, vector<256x32xf32>,
    %get3A_10 = arith.constant 0 : index
    %get3A_11 = arith.constant 0 : index
    %get3A_12 = vector.load %arg2[%get3A_10, %get3A_11] : memref<32x8192xf32, #tpu.memory_space<vmem>>, vector<32x8192xf32>
    %mul3A_13 = arith.mulf %get3A_12, %get3A_12 : vector<32x8192xf32>
    %reduce_sum3A_14 = arith.constant dense<0.000000e+00> : vector<8192xf32>
    %reduce_sum3A_15 = vector.multi_reduction <add>, %mul3A_13, %reduce_sum3A_14 [0] : vector<32x8192xf32> to vector<8192xf32>
    %broadcast_in_dim3A_16 = vector.shape_cast %reduce_sum3A_15 : vector<8192xf32> to vector<1x8192xf32>
    %sqrt3A_17 = math.sqrt %broadcast_in_dim3A_16 : vector<1x8192xf32>
    %max3A_18 = arith.constant 9.99999996E-13 : f32
    %max3A_19 = vector.broadcast %max3A_18 : f32 to vector<1x8192xf32>
    %max3A_20 = arith.maximumf %sqrt3A_17, %max3A_19 : vector<1x8192xf32>
    %div3A_21 = vector.broadcast %max3A_20 : vector<1x8192xf32> to vector<32x8192xf32>
    %div3A_22 = arith.divf %get3A_12, %div3A_21 : vector<32x8192xf32>
    %mul3A_23 = arith.mulf %div3A_7, %div3A_7 : vector<256x32xf32>
    %reduce_sum3A_24 = arith.constant dense<0.000000e+00> : vector<256xf32>
    %reduce_sum3A_25 = vector.multi_reduction <add>, %mul3A_23, %reduce_sum3A_24 [1] : vector<256x32xf32> to vector<256xf32>
    %broadcast_in_dim3A_26 = vector.shape_cast %reduce_sum3A_25 : vector<256xf32> to vector<256x1xf32>
    %mul3A_27 = arith.mulf %div3A_22, %div3A_22 : vector<32x8192xf32>
    %reduce_sum3A_28 = arith.constant dense<0.000000e+00> : vector<8192xf32>
    %reduce_sum3A_29 = vector.multi_reduction <add>, %mul3A_27, %reduce_sum3A_28 [0] : vector<32x8192xf32> to vector<8192xf32>
    %broadcast_in_dim3A_30 = vector.shape_cast %reduce_sum3A_29 : vector<8192xf32> to vector<1x8192xf32>
    %add3A = arith.addf %div3A_7, %div3A_7 : vector<256x32xf32>
    %dot_general3A = arith.constant dense<0.000000e+00> : vector<256x8192xf32>
    %dot_general3A_31 = tpu.matmul %add3A, %div3A_22, %dot_general3A {dimension_numbers = #tpu.dot_dimension_numbers<[1], [0], [0], [1], [0, 0, 1, 1], [], []>, transpose_lhs_hint = false} : vector<256x32xf32>, vector<32x8192xf32>, vector<256x8192xf32> -> vector<256x8192xf32>
    %add3A_32 = vector.broadcast %broadcast_in_dim3A_26 : vector<256x1xf32> to vector<256x8192xf32>
    %add3A_33 = vector.broadcast %broadcast_in_dim3A_30 : vector<1x8192xf32> to vector<256x8192xf32>
    %add3A_34 = arith.addf %add3A_32, %add3A_33 : vector<256x8192xf32>
    %sub3A = arith.subf %add3A_34, %dot_general3A_31 : vector<256x8192xf32>
    %broadcast_in_dim3A_35 = arith.constant 0x7F800000 : f32
    %broadcast_in_dim3A_36 = vector.broadcast %broadcast_in_dim3A_35 : f32 to vector<256x1xf32>
    %broadcast_in_dim3A_37 = arith.constant 0 : i32
    %broadcast_in_dim3A_38 = vector.broadcast %broadcast_in_dim3A_37 : i32 to vector<256x1xi32>
    %slice3A = vector.extract_strided_slice %sub3A {offsets = [0, 0], sizes = [256, 2048], strides = [1, 1]} : vector<256x8192xf32> to vector<256x2048xf32>
    %reduce_min3A = arith.constant dense<0x7F800000> : vector<256xf32>
    %reduce_min3A_39 = vector.multi_reduction <minimumf>, %slice3A, %reduce_min3A [1] : vector<256x2048xf32> to vector<256xf32>
    %broadcast_in_dim3A_40 = vector.shape_cast %reduce_min3A_39 : vector<256xf32> to vector<256x1xf32>
    %iota3A = tpu.iota {dimensions = array<i32: 1>} : vector<256x2048xi32>
    %add3A_41 = arith.constant 0 : i32
    %add3A_42 = vector.broadcast %add3A_41 : i32 to vector<256x2048xi32>
    %add3A_43 = arith.addi %add3A_42, %iota3A : vector<256x2048xi32>
    %eq3A = vector.broadcast %broadcast_in_dim3A_40 : vector<256x1xf32> to vector<256x2048xf32>
    %eq3A_44 = arith.cmpf oeq, %slice3A, %eq3A : vector<256x2048xf32>
    %jit3A = arith.constant 1073741824 : i32
    %broadcast_in_dim3A_45 = vector.broadcast %jit3A : i32 to vector<256x2048xi32>
    %select_n3A = arith.select %eq3A_44, %add3A_43, %broadcast_in_dim3A_45 : vector<256x2048xi1>, vector<256x2048xi32>
    %reduce_min3A_46 = arith.constant dense<2147483647> : vector<256xi32>
    %reduce_min3A_47 = vector.multi_reduction <minsi>, %select_n3A, %reduce_min3A_46 [1] : vector<256x2048xi32> to vector<256xi32>
    %broadcast_in_dim3A_48 = vector.shape_cast %reduce_min3A_47 : vector<256xi32> to vector<256x1xi32>
    %lt3A = arith.cmpf olt, %broadcast_in_dim3A_40, %broadcast_in_dim3A_36 : vector<256x1xf32>
    %eq3A_49 = arith.cmpf oeq, %broadcast_in_dim3A_40, %broadcast_in_dim3A_36 : vector<256x1xf32>
    %lt3A_50 = arith.cmpi slt, %broadcast_in_dim3A_48, %broadcast_in_dim3A_38 : vector<256x1xi32>
    %and3A = arith.andi %eq3A_49, %lt3A_50 : vector<256x1xi1>
    %or3A = arith.ori %lt3A, %and3A : vector<256x1xi1>
    %select_n3A_51 = arith.select %or3A, %broadcast_in_dim3A_48, %broadcast_in_dim3A_38 : vector<256x1xi1>, vector<256x1xi32>
    %select_n3A_52 = arith.select %or3A, %broadcast_in_dim3A_40, %broadcast_in_dim3A_36 : vector<256x1xi1>, vector<256x1xf32>
    %convert_element_type3A = arith.truncf %select_n3A_52 : vector<256x1xf32> to vector<256x1xbf16>
    %convert_element_type3A_53 = arith.extf %convert_element_type3A : vector<256x1xbf16> to vector<256x1xf32>
    %slice3A_54 = vector.extract_strided_slice %sub3A {offsets = [0, 2048], sizes = [256, 2048], strides = [1, 1]} : vector<256x8192xf32> to vector<256x2048xf32>
    %reduce_min3A_55 = arith.constant dense<0x7F800000> : vector<256xf32>
    %reduce_min3A_56 = vector.multi_reduction <minimumf>, %slice3A_54, %reduce_min3A_55 [1] : vector<256x2048xf32> to vector<256xf32>
    %broadcast_in_dim3A_57 = vector.shape_cast %reduce_min3A_56 : vector<256xf32> to vector<256x1xf32>
    %iota3A_58 = tpu.iota {dimensions = array<i32: 1>} : vector<256x2048xi32>
    %add3A_59 = arith.constant 2048 : i32
    %add3A_60 = vector.broadcast %add3A_59 : i32 to vector<256x2048xi32>
    %add3A_61 = arith.addi %add3A_60, %iota3A_58 : vector<256x2048xi32>
    %eq3A_62 = vector.broadcast %broadcast_in_dim3A_57 : vector<256x1xf32> to vector<256x2048xf32>
    %eq3A_63 = arith.cmpf oeq, %slice3A_54, %eq3A_62 : vector<256x2048xf32>
    %jit3A_64 = arith.constant 1073741824 : i32
    %broadcast_in_dim3A_65 = vector.broadcast %jit3A_64 : i32 to vector<256x2048xi32>
    %select_n3A_66 = arith.select %eq3A_63, %add3A_61, %broadcast_in_dim3A_65 : vector<256x2048xi1>, vector<256x2048xi32>
    %reduce_min3A_67 = arith.constant dense<2147483647> : vector<256xi32>
    %reduce_min3A_68 = vector.multi_reduction <minsi>, %select_n3A_66, %reduce_min3A_67 [1] : vector<256x2048xi32> to vector<256xi32>
    %broadcast_in_dim3A_69 = vector.shape_cast %reduce_min3A_68 : vector<256xi32> to vector<256x1xi32>
    %lt3A_70 = arith.cmpf olt, %broadcast_in_dim3A_57, %convert_element_type3A_53 : vector<256x1xf32>
    %eq3A_71 = arith.cmpf oeq, %broadcast_in_dim3A_57, %convert_element_type3A_53 : vector<256x1xf32>
    %lt3A_72 = arith.cmpi slt, %broadcast_in_dim3A_69, %select_n3A_51 : vector<256x1xi32>
    %and3A_73 = arith.andi %eq3A_71, %lt3A_72 : vector<256x1xi1>
    %or3A_74 = arith.ori %lt3A_70, %and3A_73 : vector<256x1xi1>
    %select_n3A_75 = arith.select %or3A_74, %broadcast_in_dim3A_69, %select_n3A_51 : vector<256x1xi1>, vector<256x1xi32>
    %select_n3A_76 = arith.select %or3A_74, %broadcast_in_dim3A_57, %convert_element_type3A_53 : vector<256x1xi1>, vector<256x1xf32>
    %convert_element_type3A_77 = arith.truncf %select_n3A_76 : vector<256x1xf32> to vector<256x1xbf16>
    %convert_element_type3A_78 = arith.extf %convert_element_type3A_77 : vector<256x1xbf16> to vector<256x1xf32>
    %slice3A_79 = vector.extract_strided_slice %sub3A {offsets = [0, 4096], sizes = [256, 2048], strides = [1, 1]} : vector<256x8192xf32> to vector<256x2048xf32>
    %reduce_min3A_80 = arith.constant dense<0x7F800000> : vector<256xf32>
    %reduce_min3A_81 = vector.multi_reduction <minimumf>, %slice3A_79, %reduce_min3A_80 [1] : vector<256x2048xf32> to vector<256xf32>
    %broadcast_in_dim3A_82 = vector.shape_cast %reduce_min3A_81 : vector<256xf32> to vector<256x1xf32>
    %iota3A_83 = tpu.iota {dimensions = array<i32: 1>} : vector<256x2048xi32>
    %add3A_84 = arith.constant 4096 : i32
    %add3A_85 = vector.broadcast %add3A_84 : i32 to vector<256x2048xi32>
    %add3A_86 = arith.addi %add3A_85, %iota3A_83 : vector<256x2048xi32>
    %eq3A_87 = vector.broadcast %broadcast_in_dim3A_82 : vector<256x1xf32> to vector<256x2048xf32>
    %eq3A_88 = arith.cmpf oeq, %slice3A_79, %eq3A_87 : vector<256x2048xf32>
    %jit3A_89 = arith.constant 1073741824 : i32
    %broadcast_in_dim3A_90 = vector.broadcast %jit3A_89 : i32 to vector<256x2048xi32>
    %select_n3A_91 = arith.select %eq3A_88, %add3A_86, %broadcast_in_dim3A_90 : vector<256x2048xi1>, vector<256x2048xi32>
    %reduce_min3A_92 = arith.constant dense<2147483647> : vector<256xi32>
    %reduce_min3A_93 = vector.multi_reduction <minsi>, %select_n3A_91, %reduce_min3A_92 [1] : vector<256x2048xi32> to vector<256xi32>
    %broadcast_in_dim3A_94 = vector.shape_cast %reduce_min3A_93 : vector<256xi32> to vector<256x1xi32>
    %lt3A_95 = arith.cmpf olt, %broadcast_in_dim3A_82, %convert_element_type3A_78 : vector<256x1xf32>
    %eq3A_96 = arith.cmpf oeq, %broadcast_in_dim3A_82, %convert_element_type3A_78 : vector<256x1xf32>
    %lt3A_97 = arith.cmpi slt, %broadcast_in_dim3A_94, %select_n3A_75 : vector<256x1xi32>
    %and3A_98 = arith.andi %eq3A_96, %lt3A_97 : vector<256x1xi1>
    %or3A_99 = arith.ori %lt3A_95, %and3A_98 : vector<256x1xi1>
    %select_n3A_100 = arith.select %or3A_99, %broadcast_in_dim3A_94, %select_n3A_75 : vector<256x1xi1>, vector<256x1xi32>
    %select_n3A_101 = arith.select %or3A_99, %broadcast_in_dim3A_82, %convert_element_type3A_78 : vector<256x1xi1>, vector<256x1xf32>
    %convert_element_type3A_102 = arith.truncf %select_n3A_101 : vector<256x1xf32> to vector<256x1xbf16>
    %convert_element_type3A_103 = arith.extf %convert_element_type3A_102 : vector<256x1xbf16> to vector<256x1xf32>
    %slice3A_104 = vector.extract_strided_slice %sub3A {offsets = [0, 6144], sizes = [256, 2048], strides = [1, 1]} : vector<256x8192xf32> to vector<256x2048xf32>
    %reduce_min3A_105 = arith.constant dense<0x7F800000> : vector<256xf32>
    %reduce_min3A_106 = vector.multi_reduction <minimumf>, %slice3A_104, %reduce_min3A_105 [1] : vector<256x2048xf32> to vector<256xf32>
    %broadcast_in_dim3A_107 = vector.shape_cast %reduce_min3A_106 : vector<256xf32> to vector<256x1xf32>
    %iota3A_108 = tpu.iota {dimensions = array<i32: 1>} : vector<256x2048xi32>
    %add3A_109 = arith.constant 6144 : i32
    %add3A_110 = vector.broadcast %add3A_109 : i32 to vector<256x2048xi32>
    %add3A_111 = arith.addi %add3A_110, %iota3A_108 : vector<256x2048xi32>
    %eq3A_112 = vector.broadcast %broadcast_in_dim3A_107 : vector<256x1xf32> to vector<256x2048xf32>
    %eq3A_113 = arith.cmpf oeq, %slice3A_104, %eq3A_112 : vector<256x2048xf32>
    %jit3A_114 = arith.constant 1073741824 : i32
    %broadcast_in_dim3A_115 = vector.broadcast %jit3A_114 : i32 to vector<256x2048xi32>
    %select_n3A_116 = arith.select %eq3A_113, %add3A_111, %broadcast_in_dim3A_115 : vector<256x2048xi1>, vector<256x2048xi32>
    %reduce_min3A_117 = arith.constant dense<2147483647> : vector<256xi32>
    %reduce_min3A_118 = vector.multi_reduction <minsi>, %select_n3A_116, %reduce_min3A_117 [1] : vector<256x2048xi32> to vector<256xi32>
    %broadcast_in_dim3A_119 = vector.shape_cast %reduce_min3A_118 : vector<256xi32> to vector<256x1xi32>
    %lt3A_120 = arith.cmpf olt, %broadcast_in_dim3A_107, %convert_element_type3A_103 : vector<256x1xf32>
    %eq3A_121 = arith.cmpf oeq, %broadcast_in_dim3A_107, %convert_element_type3A_103 : vector<256x1xf32>
    %lt3A_122 = arith.cmpi slt, %broadcast_in_dim3A_119, %select_n3A_100 : vector<256x1xi32>
    %and3A_123 = arith.andi %eq3A_121, %lt3A_122 : vector<256x1xi1>
    %or3A_124 = arith.ori %lt3A_120, %and3A_123 : vector<256x1xi1>
    %select_n3A_125 = arith.select %or3A_124, %broadcast_in_dim3A_119, %select_n3A_100 : vector<256x1xi1>, vector<256x1xi32>
    %reshape3A = vector.shape_cast %select_n3A_125 : vector<256x1xi32> to vector<1x1x256xi32>
    %swap3A_126 = arith.constant 0 : index
    %swap3A_127 = arith.constant 0 : index
    %swap3A_128 = arith.constant 0 : index
    %swap3A_129 = vector.load %arg3[%swap3A_126, %swap3A_127, %swap3A_128] : memref<1x1x256xi32, #tpu.memory_space<vmem>>, vector<1x1x256xi32>
    tpu.vector_store %arg3[%swap3A_126, %swap3A_127, %swap3A_128], %reshape3A {strides = array<i32>} : memref<1x1x256xi32, #tpu.memory_space<vmem>>, vector<1x1x256xi32>,
    return
  }
  func.func @transform_0(%arg0: i32) -> (i32, i32, i32) {
    %jit3A = arith.constant 4 : i32
    %div3A = arith.divsi %arg0, %jit3A : i32
    %sign3A = arith.constant 0 : i32
    %sign3A_0 = arith.cmpi sgt, %arg0, %sign3A : i32
    %sign3A_1 = arith.extui %sign3A_0 : i1 to i32
    %sign3A_2 = arith.constant 0 : i32
    %sign3A_3 = arith.cmpi slt, %arg0, %sign3A_2 : i32
    %sign3A_4 = arith.extui %sign3A_3 : i1 to i32
    %sign3A_5 = arith.subi %sign3A_1, %sign3A_4 : i32
    %sign3A_6 = arith.constant 0 : i32
    %sign3A_7 = arith.cmpi sgt, %jit3A, %sign3A_6 : i32
    %sign3A_8 = arith.extui %sign3A_7 : i1 to i32
    %sign3A_9 = arith.constant 0 : i32
    %sign3A_10 = arith.cmpi slt, %jit3A, %sign3A_9 : i32
    %sign3A_11 = arith.extui %sign3A_10 : i1 to i32
    %sign3A_12 = arith.subi %sign3A_8, %sign3A_11 : i32
    %ne3A = arith.cmpi ne, %sign3A_5, %sign3A_12 : i32
    %rem3A = arith.remsi %arg0, %jit3A : i32
    %ne3A_13 = arith.constant 0 : i32
    %ne3A_14 = arith.cmpi ne, %rem3A, %ne3A_13 : i32
    %and3A = arith.andi %ne3A, %ne3A_14 : i1
    %sub3A = arith.constant 1 : i32
    %sub3A_15 = arith.subi %div3A, %sub3A : i32
    %select_n3A = arith.select %and3A, %sub3A_15, %div3A : i32
    %jit3A_16 = arith.constant 4 : i32
    %eq3A = arith.constant 0 : i32
    %eq3A_17 = arith.cmpi eq, %jit3A_16, %eq3A : i32
    %jit3A_18 = arith.constant 1 : i32
    %select_n3A_19 = arith.select %eq3A_17, %jit3A_18, %jit3A_16 : i32
    %rem3A_20 = arith.remsi %arg0, %select_n3A_19 : i32
    %ne3A_21 = arith.constant 0 : i32
    %ne3A_22 = arith.cmpi ne, %rem3A_20, %ne3A_21 : i32
    %lt3A = arith.constant 0 : i32
    %lt3A_23 = arith.cmpi slt, %rem3A_20, %lt3A : i32
    %lt3A_24 = arith.constant 0 : i32
    %lt3A_25 = arith.cmpi slt, %select_n3A_19, %lt3A_24 : i32
    %ne3A_26 = arith.xori %lt3A_23, %lt3A_25 : i1
    %and3A_27 = arith.andi %ne3A_26, %ne3A_22 : i1
    %add3A = arith.addi %rem3A_20, %select_n3A_19 : i32
    %select_n3A_28 = arith.select %and3A_27, %add3A, %rem3A_20 : i32
    %c0_i32 = arith.constant 0 : i32
    %c0_i32_29 = arith.constant 0 : i32
    return %select_n3A, %c0_i32, %select_n3A_28 : i32, i32, i32
  }
  func.func @transform_1(%arg0: i32) -> (i32, i32) {
    %c0_i32 = arith.constant 0 : i32
    %c0_i32_0 = arith.constant 0 : i32
    %c0_i32_1 = arith.constant 0 : i32
    return %c0_i32, %c0_i32_0 : i32, i32
  }
  func.func @transform_2(%arg0: i32) -> (i32, i32, i32) {
    %c0_i32 = arith.constant 0 : i32
    %c0_i32_0 = arith.constant 0 : i32
    %c0_i32_1 = arith.constant 0 : i32
    return %arg0, %c0_i32, %c0_i32_0 : i32, i32, i32
  }
  func.func @transform_3(%arg0: i32) -> (i32, i32) {
    %c0_i32 = arith.constant 0 : i32
    %c0_i32_0 = arith.constant 0 : i32
    return %arg0, %c0_i32 : i32, i32
  }
}

module attributes {stable_mosaic.version = 14 : i64} {
  func.func @_final_body(%arg0: i32, %arg1: memref<256x32xf32, #tpu.memory_space<vmem>>, %arg2: memref<256x32xf32, #tpu.memory_space<vmem>>, %arg3: memref<2x8192xf32, #tpu.memory_space<vmem>>, %arg4: memref<1x32x256xf32, #tpu.memory_space<vmem>>, %arg5: memref<1x1xf32, #tpu.memory_space<vmem>>, %arg6: memref<1x1xf32, #tpu.memory_space<vmem>>, %arg7: memref<1x1xf32, #tpu.memory_space<vmem>>, %arg8: memref<1xf32, #tpu.memory_space<smem>>) attributes {dimension_semantics = [#tpu.dimension_semantics<arbitrary>], iteration_bounds = array<i64: 32>, scalar_prefetch = 0 : i64, scratch_operands = 1 : i64, tpu.core_type = #tpu.core_type<tc>, window_params = [{transform_indices = @transform_0, window_bounds = array<i64: 256, 32>}, {transform_indices = @transform_1, window_bounds = array<i64: 256, 32>}, {pipeline_mode = #tpu.pipeline_mode<synchronous>, transform_indices = @transform_2, window_bounds = array<i64: 2, 8192>}, {transform_indices = @transform_3, window_bounds = array<i64: 1, 32, 256>}, {pipeline_mode = #tpu.pipeline_mode<synchronous>, transform_indices = @transform_4, window_bounds = array<i64: 1, 1>}, {pipeline_mode = #tpu.pipeline_mode<synchronous>, transform_indices = @transform_5, window_bounds = array<i64: 1, 1>}, {pipeline_mode = #tpu.pipeline_mode<synchronous>, transform_indices = @transform_6, window_bounds = array<i64: 1, 1>}]} {
    %eq3A = arith.constant 0 : i32
    %eq3A_0 = arith.cmpi eq, %arg0, %eq3A : i32
    %convert_element_type3A = arith.extui %eq3A_0 : i1 to i32
    %cond3A = arith.constant 0 : i32
    %cond3A_1 = arith.cmpi ne, %convert_element_type3A, %cond3A : i32
    scf.if %cond3A_1 {
      %swap3A_33 = arith.constant 0.000000e+00 : f32
      %swap3A_34 = arith.constant 0 : index
      %swap3A_35 = memref.load %arg8[%swap3A_34] : memref<1xf32, #tpu.memory_space<smem>>
      memref.store %swap3A_33, %arg8[%swap3A_34] : memref<1xf32, #tpu.memory_space<smem>>
    } else {
    }
    %get3A = arith.constant 0 : index
    %get3A_2 = arith.constant 0 : index
    %get3A_3 = vector.load %arg1[%get3A, %get3A_2] : memref<256x32xf32, #tpu.memory_space<vmem>>, vector<256x32xf32>
    %mul3A = arith.mulf %get3A_3, %get3A_3 : vector<256x32xf32>
    %reduce_sum3A = arith.constant dense<0.000000e+00> : vector<256xf32>
    %reduce_sum3A_4 = vector.multi_reduction <add>, %mul3A, %reduce_sum3A [1] : vector<256x32xf32> to vector<256xf32>
    %broadcast_in_dim3A = vector.shape_cast %reduce_sum3A_4 : vector<256xf32> to vector<256x1xf32>
    %sqrt3A = math.sqrt %broadcast_in_dim3A : vector<256x1xf32>
    %max3A = arith.constant 9.99999996E-13 : f32
    %max3A_5 = vector.broadcast %max3A : f32 to vector<256x1xf32>
    %max3A_6 = arith.maximumf %sqrt3A, %max3A_5 : vector<256x1xf32>
    %div3A = vector.broadcast %max3A_6 : vector<256x1xf32> to vector<256x32xf32>
    %div3A_7 = arith.divf %get3A_3, %div3A : vector<256x32xf32>
    %get3A_8 = arith.constant 0 : index
    %get3A_9 = arith.constant 0 : index
    %get3A_10 = vector.load %arg2[%get3A_8, %get3A_9] : memref<256x32xf32, #tpu.memory_space<vmem>>, vector<256x32xf32>
    %sub3A = arith.subf %div3A_7, %get3A_10 : vector<256x32xf32>
    %add3A = arith.addf %get3A_10, %sub3A : vector<256x32xf32>
    %transpose3A = tpu.transpose %add3A, [1, 0] : vector<256x32xf32> -> vector<32x256xf32>
    %swap3A = arith.constant 0 : index
    %swap3A_11 = arith.constant 0 : index
    %swap3A_12 = arith.constant 0 : index
    %swap3A_13 = vector.load %arg4[%swap3A, %swap3A_11, %swap3A_12] : memref<1x32x256xf32, #tpu.memory_space<vmem>>, vector<1x32x256xf32>
    %swap3A_14 = vector.shape_cast %swap3A_13 : vector<1x32x256xf32> to vector<32x256xf32>
    %swap3A_15 = vector.shape_cast %transpose3A : vector<32x256xf32> to vector<1x32x256xf32>
    tpu.vector_store %arg4[%swap3A, %swap3A_11, %swap3A_12], %swap3A_15 {strides = array<i32>} : memref<1x32x256xf32, #tpu.memory_space<vmem>>, vector<1x32x256xf32>,
    %sub3A_16 = arith.subf %div3A_7, %get3A_10 : vector<256x32xf32>
    %get3A_17 = arith.constant 0 : index
    %get3A_18 = memref.load %arg8[%get3A_17] : memref<1xf32, #tpu.memory_space<smem>>
    %mul3A_19 = arith.mulf %sub3A_16, %sub3A_16 : vector<256x32xf32>
    %reduce_sum3A_20 = vector.shape_cast %mul3A_19 : vector<256x32xf32> to vector<1x256x32xf32>
    %reduce_sum3A_21 = arith.constant dense<0.000000e+00> : vector<1xf32>
    %reduce_sum3A_22 = vector.multi_reduction <add>, %reduce_sum3A_20, %reduce_sum3A_21 [1, 2] : vector<1x256x32xf32> to vector<1xf32>
    %reduce_sum3A_23 = vector.shape_cast %reduce_sum3A_22 : vector<1xf32> to vector<1x1x1xf32>
    %reduce_sum3A_24 = vector.extract %reduce_sum3A_23[0, 0, 0] : f32 from vector<1x1x1xf32>
    %add3A_25 = arith.addf %get3A_18, %reduce_sum3A_24 : f32
    %swap3A_26 = arith.constant 0 : index
    %swap3A_27 = memref.load %arg8[%swap3A_26] : memref<1xf32, #tpu.memory_space<smem>>
    memref.store %add3A_25, %arg8[%swap3A_26] : memref<1xf32, #tpu.memory_space<smem>>
    %eq3A_28 = arith.constant 31 : i32
    %eq3A_29 = arith.cmpi eq, %arg0, %eq3A_28 : i32
    %convert_element_type3A_30 = arith.extui %eq3A_29 : i1 to i32
    %cond3A_31 = arith.constant 0 : i32
    %cond3A_32 = arith.cmpi ne, %convert_element_type3A_30, %cond3A_31 : i32
    scf.if %cond3A_32 {
      %get3A_33 = arith.constant 0 : index
      %get3A_34 = memref.load %arg8[%get3A_33] : memref<1xf32, #tpu.memory_space<smem>>
      %div3A_35 = arith.constant 2.621440e+05 : f32
      %div3A_36 = arith.divf %get3A_34, %div3A_35 : f32
      %reshape3A = vector.broadcast %div3A_36 : f32 to vector<1x1xf32>
      %swap3A_37 = arith.constant 0 : index
      %swap3A_38 = arith.constant 0 : index
      %swap3A_39 = vector.load %arg6[%swap3A_37, %swap3A_38] : memref<1x1xf32, #tpu.memory_space<vmem>>, vector<1x1xf32>
      tpu.vector_store %arg6[%swap3A_37, %swap3A_38], %reshape3A {strides = array<i32>} : memref<1x1xf32, #tpu.memory_space<vmem>>, vector<1x1xf32>,
      %mul3A_40 = arith.constant 2.500000e-01 : f32
      %mul3A_41 = arith.mulf %mul3A_40, %div3A_36 : f32
      %reshape3A_42 = vector.broadcast %mul3A_41 : f32 to vector<1x1xf32>
      %swap3A_43 = arith.constant 0 : index
      %swap3A_44 = arith.constant 0 : index
      %swap3A_45 = vector.load %arg7[%swap3A_43, %swap3A_44] : memref<1x1xf32, #tpu.memory_space<vmem>>, vector<1x1xf32>
      tpu.vector_store %arg7[%swap3A_43, %swap3A_44], %reshape3A_42 {strides = array<i32>} : memref<1x1xf32, #tpu.memory_space<vmem>>, vector<1x1xf32>,
      %get3A_46 = arith.constant 0 : index
      %get3A_47 = arith.constant 0 : index
      %get3A_48 = vector.load %arg3[%get3A_46, %get3A_47] : memref<2x8192xf32, #tpu.memory_space<vmem>>, vector<2x8192xf32>
      %slice3A = vector.extract_strided_slice %get3A_48 {offsets = [0, 0], sizes = [1, 8192], strides = [1, 1]} : vector<2x8192xf32> to vector<1x8192xf32>
      %slice3A_49 = vector.extract_strided_slice %get3A_48 {offsets = [1, 0], sizes = [1, 8192], strides = [1, 1]} : vector<2x8192xf32> to vector<1x8192xf32>
      %add3A_50 = arith.addf %slice3A, %slice3A_49 : vector<1x8192xf32>
      %ge3A = arith.constant 8.000000e-02 : f32
      %ge3A_51 = vector.broadcast %ge3A : f32 to vector<1x8192xf32>
      %ge3A_52 = arith.cmpf oge, %add3A_50, %ge3A_51 : vector<1x8192xf32>
      %convert_element_type3A_53 = arith.extui %ge3A_52 : vector<1x8192xi1> to vector<1x8192xi32>
      %convert_element_type3A_54 = arith.sitofp %convert_element_type3A_53 : vector<1x8192xi32> to vector<1x8192xf32>
      %reduce_sum3A_55 = vector.shape_cast %convert_element_type3A_54 : vector<1x8192xf32> to vector<1x1x8192xf32>
      %reduce_sum3A_56 = arith.constant dense<0.000000e+00> : vector<1xf32>
      %reduce_sum3A_57 = vector.multi_reduction <add>, %reduce_sum3A_55, %reduce_sum3A_56 [1, 2] : vector<1x1x8192xf32> to vector<1xf32>
      %reduce_sum3A_58 = vector.shape_cast %reduce_sum3A_57 : vector<1xf32> to vector<1x1x1xf32>
      %reduce_sum3A_59 = vector.extract %reduce_sum3A_58[0, 0, 0] : f32 from vector<1x1x1xf32>
      %div3A_60 = arith.constant 8.192000e+03 : f32
      %div3A_61 = arith.divf %reduce_sum3A_59, %div3A_60 : f32
      %mul3A_62 = arith.constant 1.000000e+02 : f32
      %mul3A_63 = arith.mulf %div3A_61, %mul3A_62 : f32
      %reshape3A_64 = vector.broadcast %mul3A_63 : f32 to vector<1x1xf32>
      %swap3A_65 = arith.constant 0 : index
      %swap3A_66 = arith.constant 0 : index
      %swap3A_67 = vector.load %arg5[%swap3A_65, %swap3A_66] : memref<1x1xf32, #tpu.memory_space<vmem>>, vector<1x1xf32>
      tpu.vector_store %arg5[%swap3A_65, %swap3A_66], %reshape3A_64 {strides = array<i32>} : memref<1x1xf32, #tpu.memory_space<vmem>>, vector<1x1xf32>,
    } else {
    }
    return
  }
  func.func @transform_0(%arg0: i32) -> (i32, i32) {
    %c0_i32 = arith.constant 0 : i32
    %c0_i32_0 = arith.constant 0 : i32
    return %arg0, %c0_i32 : i32, i32
  }
  func.func @transform_1(%arg0: i32) -> (i32, i32) {
    %c0_i32 = arith.constant 0 : i32
    %c0_i32_0 = arith.constant 0 : i32
    return %arg0, %c0_i32 : i32, i32
  }
  func.func @transform_2(%arg0: i32) -> (i32, i32) {
    %c0_i32 = arith.constant 0 : i32
    %c0_i32_0 = arith.constant 0 : i32
    %c0_i32_1 = arith.constant 0 : i32
    return %c0_i32, %c0_i32_0 : i32, i32
  }
  func.func @transform_3(%arg0: i32) -> (i32, i32, i32) {
    %jit3A = arith.constant 4 : i32
    %div3A = arith.divsi %arg0, %jit3A : i32
    %sign3A = arith.constant 0 : i32
    %sign3A_0 = arith.cmpi sgt, %arg0, %sign3A : i32
    %sign3A_1 = arith.extui %sign3A_0 : i1 to i32
    %sign3A_2 = arith.constant 0 : i32
    %sign3A_3 = arith.cmpi slt, %arg0, %sign3A_2 : i32
    %sign3A_4 = arith.extui %sign3A_3 : i1 to i32
    %sign3A_5 = arith.subi %sign3A_1, %sign3A_4 : i32
    %sign3A_6 = arith.constant 0 : i32
    %sign3A_7 = arith.cmpi sgt, %jit3A, %sign3A_6 : i32
    %sign3A_8 = arith.extui %sign3A_7 : i1 to i32
    %sign3A_9 = arith.constant 0 : i32
    %sign3A_10 = arith.cmpi slt, %jit3A, %sign3A_9 : i32
    %sign3A_11 = arith.extui %sign3A_10 : i1 to i32
    %sign3A_12 = arith.subi %sign3A_8, %sign3A_11 : i32
    %ne3A = arith.cmpi ne, %sign3A_5, %sign3A_12 : i32
    %rem3A = arith.remsi %arg0, %jit3A : i32
    %ne3A_13 = arith.constant 0 : i32
    %ne3A_14 = arith.cmpi ne, %rem3A, %ne3A_13 : i32
    %and3A = arith.andi %ne3A, %ne3A_14 : i1
    %sub3A = arith.constant 1 : i32
    %sub3A_15 = arith.subi %div3A, %sub3A : i32
    %select_n3A = arith.select %and3A, %sub3A_15, %div3A : i32
    %jit3A_16 = arith.constant 4 : i32
    %eq3A = arith.constant 0 : i32
    %eq3A_17 = arith.cmpi eq, %jit3A_16, %eq3A : i32
    %jit3A_18 = arith.constant 1 : i32
    %select_n3A_19 = arith.select %eq3A_17, %jit3A_18, %jit3A_16 : i32
    %rem3A_20 = arith.remsi %arg0, %select_n3A_19 : i32
    %ne3A_21 = arith.constant 0 : i32
    %ne3A_22 = arith.cmpi ne, %rem3A_20, %ne3A_21 : i32
    %lt3A = arith.constant 0 : i32
    %lt3A_23 = arith.cmpi slt, %rem3A_20, %lt3A : i32
    %lt3A_24 = arith.constant 0 : i32
    %lt3A_25 = arith.cmpi slt, %select_n3A_19, %lt3A_24 : i32
    %ne3A_26 = arith.xori %lt3A_23, %lt3A_25 : i1
    %and3A_27 = arith.andi %ne3A_26, %ne3A_22 : i1
    %add3A = arith.addi %rem3A_20, %select_n3A_19 : i32
    %select_n3A_28 = arith.select %and3A_27, %add3A, %rem3A_20 : i32
    %c0_i32 = arith.constant 0 : i32
    %c0_i32_29 = arith.constant 0 : i32
    return %select_n3A, %c0_i32, %select_n3A_28 : i32, i32, i32
  }
  func.func @transform_4(%arg0: i32) -> (i32, i32) {
    %c0_i32 = arith.constant 0 : i32
    %c0_i32_0 = arith.constant 0 : i32
    %c0_i32_1 = arith.constant 0 : i32
    return %c0_i32, %c0_i32_0 : i32, i32
  }
  func.func @transform_5(%arg0: i32) -> (i32, i32) {
    %c0_i32 = arith.constant 0 : i32
    %c0_i32_0 = arith.constant 0 : i32
    %c0_i32_1 = arith.constant 0 : i32
    return %c0_i32, %c0_i32_0 : i32, i32
  }
  func.func @transform_6(%arg0: i32) -> (i32, i32) {
    %c0_i32 = arith.constant 0 : i32
    %c0_i32_0 = arith.constant 0 : i32
    %c0_i32_1 = arith.constant 0 : i32
    return %c0_i32, %c0_i32_0 : i32, i32
  }
}

</mosaic_0001>

<sc_bundles>
// kernel: kernel.5.cloned.1.call-start
scs
__scs_entry_jumppad:
0x0: {  	(pc) =	sbr.rel $0x88, $3  }
0x1: {  	(tag) =	ssettag $0x0;
	lr =	simm.s32 $0x1  }
0x2: {  	[smem:$0x3F9F] =	sst lr;
	_ =	strace $0xD0000000  }
0x3: {  	_ = 	snop  }
0x4: {  	_ = 	snop  }
0x5: {  	_ = 	snop  }
0x6: {  	_ = 	snop  }
0x7: {  	_ = 	snop  }
__scs_overlays_trampoline_lowered:
0x8: {  	[smem:$0x3FAE] =	sst s0  }
0x9: {  	[smem:$0x3FAF] =	sst s1  }
0xa: {  	[smem:$0x3FB0] =	sst s2  }
0xb: {  	[smem:$0x3FB1] =	sst s3  }
0xc: {  	[smem:$0x3FB2] =	sst s4  }
0xd: {  	[smem:$0x3FB3] =	sst s5  }
0xe: {  	[smem:$0x3FB4] =	sst s6  }
0xf: {  	[smem:$0x3FB5] =	sst s7  }
0x10: {  	[smem:$0x3FB6] =	sst s8  }
0x11: {  	[smem:$0x3FB7] =	sst s9;
	s0 =	simm.s32 @!p0 $0x0  }
0x12: {  	s1 =	sld [smem:$0x3F9D];
	s0 =	simm.s32 @p0 $0x1  }
0x13: {  	[smem:$0x3FB8] =	sst s0;
	s0 =	simm.s32 @!p1 $0x0  }
0x14: {  	s2 =	sld [smem:$0x3F9C];
	s0 =	simm.s32 @p1 $0x1  }
0x15: {  	[smem:$0x3FB9] =	sst s0;
	s0 =	simm.s32 @!p2 $0x0  }
0x16: {  	s3 =	sld [smem:$0x3FDB];
	s0 =	simm.s32 @p2 $0x1  }
0x17: {  	s4 =	simm.s32 $0x1BF5;
	[smem:$0x3FBB] =	sst s0  }
0x18: {  	s0 =	sld [smem:$0x3F9E];
	_ =	swait.ge [sflag:s4], $0x0  }
0x19: {  	s7 =	sld [smem:$0x3F9F]  }
0x1a: {  	s8 =	sadd.s32 $0xFFFFE003, lr  }
0x1b: {  	s9 =	sadd.s32 $0xFFFFFEF7, lr;
	s5 =	simm.s32 $0xFFFFFFFF;
	p2 =	slt.u32 s8, $0xFFFFF086  }
0x1c: {  	p1 =	slt.u32 s9, $0xF7A;
	s5 =	simm.s32 @!p2 $0x0  }
0x1d: {  	s5 =	simm.s32 @p1 $0x1;
	p0 =	seq.s32 s7, s2  }
0x1e: {  	s7 =	smul.u32 @!p0 $0xF7A, s2;
	p2 =	seq.s32 @!p0 s5, $0x0  }
0x1f: {  	s9 =	smul.u32 $0xF7A, s1;
	s8 =	simm.s32 @!p0 $0x1BF5;
	p2 =	por !p2, p0  }
0x20: {  	[sflag:s8] =	ssyncset.s32 @!p0 $0xFFFFF086;
	s6 =	sadd.s32 @!p0 s3, s7;
	s7 =	simm.s32 @!p0 $0x108  }
0x21: {  	s3 =	sadd.s32 s3, s9;
	s6 =	sadd.s32 @!p0 $0x88, s6;
	s7 =	simm.s32 @p2 $0x1082  }
0x22: {  	[simem:s7], [sflag:s8] =	dma.local @!p0 [hbm:s6], $0xF7A  }
0x23: {  	s9 =	sor.u32 $0xD0000000, s2;
	s6 =	simm.s32 $0x108;
	_ =	swait.ge @!p0 [sflag:s8], $0x0  }
0x24: {  	s3 =	sadd.s32 $0x88, s3;
	s6 =	simm.s32 @!p1 $0x1082;
	[sflag:s4] =	ssyncset.s32 $0xFFFFF086  }
0x25: {  	[simem:s6], [sflag:s4] =	dma.local [hbm:s3], $0xF7A  }
0x26: {  	[smem:$0x3F9F] =	sst s1;
	(tag) =	ssettag s2;
	_ =	strace s9  }
0x27: {  	s1 =	sld [smem:$0x3FAF]  }
0x28: {  	s2 =	sld [smem:$0x3FB0]  }
0x29: {  	s4 =	sld [smem:$0x3FB2]  }
0x2a: {  	p0 =	seq.s32 s5, $0x0;
	s5 =	sld [smem:$0x3FB3]  }
0x2b: {  	s6 =	sld [smem:$0x3FB4]  }
0x2c: {  	s7 =	sld [smem:$0x3FB5]  }
0x2d: {  	s3 =	simm.s32 $0x108;
	s8 =	sld [smem:$0x3FB6]  }
0x2e: {  	s3 =	simm.s32 @!p0 $0x1082;
	s9 =	sld [smem:$0x3FB7]  }
0x2f: {  	lr =	sadd.s32 s0, s3;
	s0 =	sld [smem:$0x3FAE]  }
0x30: {  	s3 =	sld [smem:$0x3FB1]  }
0x31: {  	[smem:$0x3FBA] =	sst s10  }
0x32: {  	s10 =	sld [smem:$0x3FB8];
	_ =	sdelay $0x3  }
0x33: {  	p0 =	seq.s32 s10, $0x1;
	s10 =	sld [smem:$0x3FBA];
	_ =	sdelay $0x3  }
0x34: {  	[smem:$0x3FBA] =	sst s10  }
0x35: {  	s10 =	sld [smem:$0x3FB9];
	_ =	sdelay $0x3  }
0x36: {  	p1 =	seq.s32 s10, $0x1;
	s10 =	sld [smem:$0x3FBA];
	_ =	sdelay $0x3  }
0x37: {  	[smem:$0x3FBA] =	sst s10  }
0x38: {  	s10 =	sld [smem:$0x3FBB]  }
0x39: {  	_ = 	snop;
	(pc) =	sbr.ind lr, $3  }
0x3a: {  	_ = 	snop  }
0x3b: {  	_ = 	snop  }
0x3c: {  	p2 =	seq.s32 s10, $0x1;
	s10 =	sld [smem:$0x3FBA]  }
0x3d: {  	_ =	shalt  }
0x3e: {  	_ =	shalt  }
0x3f: {  	_ =	shalt  }
0x40: {  	_ =	shalt  }
0x41: {  	_ =	shalt  }
0x42: {  	_ =	shalt  }
0x43: {  	_ =	shalt  }
0x44: {  	_ =	shalt  }
0x45: {  	_ =	shalt  }
0x46: {  	_ =	shalt  }
0x47: {  	_ =	shalt  }
0x48: {  	_ =	shalt  }
0x49: {  	_ =	shalt  }
0x4a: {  	_ =	shalt  }
0x4b: {  	_ =	shalt  }
0x4c: {  	_ =	shalt  }
0x4d: {  	_ =	shalt  }
0x4e: {  	_ =	shalt  }
0x4f: {  	_ =	shalt  }
0x50: {  	_ =	shalt  }
0x51: {  	_ =	shalt  }
0x52: {  	_ =	shalt  }
0x53: {  	_ =	shalt  }
0x54: {  	_ =	shalt  }
0x55: {  	_ =	shalt  }
0x56: {  	_ =	shalt  }
0x57: {  	_ =	shalt  }
0x58: {  	_ =	shalt  }
0x59: {  	_ =	shalt  }
0x5a: {  	_ =	shalt  }
0x5b: {  	_ =	shalt  }
0x5c: {  	_ =	shalt  }
0x5d: {  	_ =	shalt  }
0x5e: {  	_ =	shalt  }
0x5f: {  	_ =	shalt  }
0x60: {  	_ =	shalt  }
0x61: {  	_ =	shalt  }
0x62: {  	_ =	shalt  }
0x63: {  	_ =	shalt  }
0x64: {  	_ =	shalt  }
0x65: {  	_ =	shalt  }
0x66: {  	_ =	shalt  }
0x67: {  	_ =	shalt  }
0x68: {  	_ =	shalt  }
0x69: {  	_ =	shalt  }
0x6a: {  	_ =	shalt  }
0x6b: {  	_ =	shalt  }
0x6c: {  	_ =	shalt  }
0x6d: {  	_ =	shalt  }
0x6e: {  	_ =	shalt  }
0x6f: {  	_ =	shalt  }
0x70: {  	_ =	shalt  }
0x71: {  	_ =	shalt  }
0x72: {  	_ =	shalt  }
0x73: {  	_ =	shalt  }
0x74: {  	_ =	shalt  }
0x75: {  	_ =	shalt  }
0x76: {  	_ =	shalt  }
0x77: {  	_ =	shalt  }
0x78: {  	_ =	shalt  }
0x79: {  	_ =	shalt  }
0x7a: {  	_ =	shalt  }
0x7b: {  	_ =	shalt  }
0x7c: {  	_ =	shalt  }
0x7d: {  	_ =	shalt  }
0x7e: {  	_ =	shalt  }
0x7f: {  	_ =	shalt  }
0x80: {  	_ =	shalt  }
0x81: {  	_ =	shalt  }
0x82: {  	_ =	shalt  }
0x83: {  	_ =	shalt  }
0x84: {  	_ =	shalt  }
0x85: {  	_ =	shalt  }
0x86: {  	_ =	shalt  }
0x87: {  	_ =	shalt  }
.Lfunc_end0:
.L_simem_size_0:
called_computation_lowered:
.L_overlay_start_0:
0x88: {  	s2 =	sld [smem:$0x3FD9]  }
0x89: {  	s3 =	sld [smem:$0x3FFE];
	_ =	sdelay $0x1  }
0x8a: {  	s1 =	srdreg.scid  }
0x8b: {  	s0 =	sand.u32 $0x1, s1  }
0x8c: {  	s14 =	sshll.u32 s0, $0xA;
	s2 =	sadd.s32 s3, s2  }
0x8d: {  	s2 =	sadd.s32 s2, s14  }
0x8e: {  	[smem:$0x3FC6] =	sst s2  }
0x8f: {  	_ = 	snop  }
0x90: {  	s2 =	sld [smem:$0x3FD0];
	_ =	sdelay $0x2  }
0x91: {  	s15 =	simm.s32 $0xA;
	s4 =	simm.s32 $0x10  }
0x92: {  	[smem:s4], [sflag:s15] =	dma.local [hbm:s2], $0x1  }
0x93: {  	_ =	swait.eq [sflag:s15], $0x1  }
0x94: {  	[sflag:s15] =	ssyncset.done $0x0  }
0x95: {  	[sflag:s15] =	ssyncadd.s32 $0xFFFFFFFF  }
0x96: {  	s16 =	sld [smem:$0x10];
	(tm) =	ssettm $0x1  }
0x97: {  	s17 =	sld [smem:$0x3FFB];
	_ =	sdelay $0x3  }
0x98: {  	_ =	strace s17  }
0x99: {  	s3 =	sld [smem:$0x3FFC];
	_ =	sdelay $0x3  }
0x9a: {  	_ =	strace s3  }
0x9b: {  	s3 =	sld [smem:$0x3FFD];
	_ =	sdelay $0x3  }
0x9c: {  	_ =	strace s3  }
0x9d: {  	_ =	strace $0x8FFFFFFF  }
0x9e: {  	s18 =	sld [smem:$0x3FDB];
	_ =	sdelay $0x1  }
0x9f: {  	s19 =	simm.s32 $_scs_section_size  }
0xa0: {  	s5 =	simm.s32 $_size__tile_overlayer_lowered;
	s6 =	simm.s32 $_tile_overlayer_lowered  }
0xa1: {  	s22 =	simm.s32 $0x1BFF;
	s21 =	sshll.u32 s6, $0x1;
	s3 =	sadd.s32 s19, s18  }
0xa2: {  	s7 =	simm.s32 $0x0;
	s20 =	sshll.u32 s5, $0x1;
	s5 =	sadd.s32 s21, s3  }
0xa3: {  	[timem:s7], [sflag:s22] =	dma.local [hbm:s5], s20  }
0xa4: {  	_ =	swait.ge [sflag:s22], s20  }
0xa5: {  	s4 =	ssub.s32 $0x0, s20;
	[sflag:s22] =	ssyncset.done $0x0  }
0xa6: {  	[sflag:s22] =	ssyncadd.s32 s4;
	_ =	sdelay $0x1  }
0xa7: {  	s23 =	simm.s32 $0x1B8B  }
0xa8: {  	_ =	swait.ge [sflag:s23], $0x1  }
0xa9: {  	[sflag:s23] =	ssyncset.done $0x0  }
0xaa: {  	s25 =	simm.s32 $0x1B8E;
	s24 =	sld [smem:$0x3FFE];
	[sflag:s23] =	ssyncadd.s32 $0xFFFFFFFF  }
0xab: {  	s26 =	simm.s32 $execute0_lowered;
	[smem:$0x3FD2] =	sst s25  }
0xac: {  	s5 =	sshll.u32 s26, $0x1;
	_ =	strace $0x80000046;
	[dreg:$0x1] =	wrdreg $0xFFFFFFFF  }
0xad: {  	s28 =	simm.s32 $_size_execute0_lowered;
	s3 =	sadd.s32 s3, s5;
	[dreg:$0x0] =	wrdreg $0x0  }
0xae: {  	s5 =	sshll.u32 s28, $0x1;
	[dreg:$0x2] =	wrdreg s3  }
0xaf: {  	[dreg:$0x3] =	wrdreg s5  }
0xb0: {  	[dreg:$0x4] =	wrdreg $0xC0  }
0xb1: {  	_ =	task [dreg:s7], $0x5FFFF  }
0xb2: {  	[dreg:$0x1] =	wrdreg $0xFFFFFFFF  }
0xb3: {  	[dreg:$0x0] =	wrdreg $0x60  }
0xb4: {  	[dreg:$0x2] =	wrdreg s24  }
0xb5: {  	[dreg:$0x3] =	wrdreg s16  }
0xb6: {  	[dreg:$0x4] =	wrdreg $0x23800  }
0xb7: {  	[dreg:$0x5] =	wrdreg $0x9  }
0xb8: {  	_ =	task.clear_ibuf [dreg:s7], $0x6FFFF;
	_ =	strace $0x90000046  }
0xb9: {  	s29 =	simm.s32 $0x9;
	_ =	strace $0x80000048  }
0xba: {  	_ =	swait.ge [sflag:s29], $0x1  }
0xbb: {  	[sflag:s29] =	ssyncadd.s32 $0xFFFFFFFF  }
0xbc: {  	_ =	strace $0x90000048  }
0xbd: {  	_ =	sfence  }
0xbe: {  	s30 =	sld [smem:$0x0];
	_ =	sdelay $0x2  }
0xbf: {  	s31 =	sshll.u32 s1, $0xD;
	s1 =	sshrl.u32 s1, $0x2  }
0xc0: {  	s3 =	sand.u32 $0x4000, s31;
	s1 =	sadd.s32 s1, s30  }
0xc1: {  	s0 =	sor.u32 s3, s0;
	s1 =	sshll.u32 s1, $0x11  }
0xc2: {  	s0 =	sor.u32 s1, s0  }
0xc3: {  	s0 =	sadd.s32 $0x8F2B, s0  }
0xc4: {  	[sflag:s0] =	ssyncadd.remote.s32 $0x1  }
0xc5: {  	_ =	sfence.sel $0xFFFF  }
0xc6: {  	[dreg:$0x0] =	wrdreg $0xFFFFFFFF;
	(pc) =	sbr.abs _section_cstart, $3  }
0xc7: {  	[dreg:$0x1] =	wrdreg $0xFFFFFFFF  }
0xc8: {  	_ =	task.clear_ibuf [dreg:s7], $0x2FFFF;
	_ =	strace $0x9FFFFFFF  }
0xc9: {  	(tm) =	ssettm $0x7FFFFFFF  }
tec
execute0_lowered:
.L_overlay_start_1:
0x0: {  	(tag) =	ssettag $0x1  }
0x1: {  	s6 =	rddreg [dreg:$0x0];
	s0 =	srdreg.scid  }
0x2: {  	s4 =	rddreg [dreg:$0x1];
	s10 =	stileid.u32;
	s7 =	sand.u32 $0x1, s0  }
0x3: {  	s1 =	rddreg [dreg:$0x2];
	s8 =	sshll.u32 s10, $0x9;
	s3 =	sshll.u32 s7, $0x8  }
0x4: {  	s2 =	simm.s32 $0x0;
	s0 =	rddreg [dreg:$0x3];
	s9 =	sor.u32 s3, s8  }
0x5: {  	[smem:$0x7FF] =	sst s2;
	s5 =	sadd.s32 $0x1000, s6;
	s3 =	sshrl.u32 s9, $0x3  }
0x6: {  	_ =	strace $0x80000047;
	s15 =	sadd.s32 s5, s3;
	s3 =	simm.s32 $0x2  }
0x7: {  	[tilespmem:s2], [sflag:$0x2] =	stream.linear.gather [hbm4b:s15+s2], $0x80, $0x38;
	[tilespmem:$0x2580] =	vst v63  }
0x8: {  	s11 =	sor.u32 $0x80, s9;
	_ =	swait.ge [sflag:s3], $0x80  }
0x9: {  	s12 =	sshrl.u32 s11, $0x3;
	[sflag:s3] =	ssyncset.done $0x0  }
0xa: {  	s16 =	sadd.s32 s5, s12;
	s5 =	simm.s32 $0x80;
	[sflag:s3] =	ssyncadd.s32 $0xFFFFFF80  }
0xb: {  	[tilespmem:s5], [sflag:$0x2] =	stream.linear.gather [hbm4b:s16+s2], $0x80, $0x38;
	[tilespmem:$0x2580] =	vst v63  }
0xc: {  	s29 =	ssub.s32 $0x2, s7;
	_ =	swait.ge [sflag:s3], $0x80  }
0xd: {  	s14 =	sshrl.u32 s29, $0x1;
	[sflag:s3] =	ssyncset.done $0x0  }
0xe: {  	v0 =	vimm.f32 $0.0e+00;
	s7 =	sshll.u32 s7, $0xA;
	s30 =	ssub.s32 s29, s14;
	[sflag:s3] =	ssyncadd.s32 $0xFFFFFF80  }
0xf: {  	s13 =	sadd.s32 $0x1C00, s6;
	s6 =	sadd.s32 s7, s6;
	s7 =	smax.u32 s30, $0x1;
	[tilespmem:$0x21F0] =	vst v0  }
0x10: {  	s18 =	sadd.s32 $0xFFFFFFFF, s7;
	[tilespmem:$0x21E0] =	vst v0  }
0x11: {  	p1 =	sne.s32 s18, $0x0;
	[tilespmem:$0x21D0] =	vst v0  }
.Ltmp0:
0x12: {  	s17 =	simm.s32 $0x2180;
	[tilespmem:$0x21C0] =	vst v0;
	(pc) =	sbr.rel @!p1 .LBB2_2-.Ltmp0, $4  }
0x13: {  	p0 =	sne.s32 s10, $0x0;
	s10 =	simm.s32 $0x2100;
	s9 =	sshll.u32 s9, $0x2;
	[tilespmem:$0x21B0] =	vst v0  }
0x14: {  	s14 =	sadd.s32 s8, s1;
	s6 =	sadd.s32 $0x1400, s6;
	s31 =	sshll.u32 s11, $0x2;
	[tilespmem:$0x21A0] =	vst v0  }
0x15: {  	s9 =	sadd.s32 s13, s9;
	s11 =	simm.s32 $0x1;
	s8 =	sadd.s32 s13, s31;
	[tilespmem:$0x2180] =	vst v0  }
0x16: {  	v1 =	vimm.f32 $1.000000000e+00;
	s13 =	simm.s32 $0x100;
	s12 =	simm.s32 $0x1100;
	s7 =	sshrl.u32 @!p0 s1, $0x3;
	[tilespmem:$0x2190] =	vst v0  }
.LBB2_1:
0x17: {  	s18 =	sadd.s32 $0xFFFFFFFF, s18;
	[tilespmem:$0x2200] =	vst v0  }
0x18: {  	p1 =	sne.s32 s18, $0x0;
	[tilespmem:$0x2210] =	vst v0  }
0x19: {  	[tilespmem:$0x2220] =	vst v0  }
0x1a: {  	[tilespmem:$0x2230] =	vst v0  }
0x1b: {  	[tilespmem:$0x2240] =	vst v0  }
0x1c: {  	[tilespmem:$0x2250] =	vst v0  }
0x1d: {  	[tilespmem:$0x2260] =	vst v0  }
0x1e: {  	[tilespmem:$0x2270] =	vst v0  }
0x1f: {  	[tilespmem:$0x2280] =	vst v0  }
0x20: {  	[tilespmem:$0x2290] =	vst v0  }
0x21: {  	[tilespmem:$0x22A0] =	vst v0  }
0x22: {  	[tilespmem:$0x22B0] =	vst v0  }
0x23: {  	[tilespmem:$0x22C0] =	vst v0  }
0x24: {  	[tilespmem:$0x22D0] =	vst v0  }
0x25: {  	[tilespmem:$0x22E0] =	vst v0  }
0x26: {  	[tilespmem:$0x22F0] =	vst v0  }
0x27: {  	[tilespmem:$0x2300] =	vst v0  }
0x28: {  	[tilespmem:$0x2310] =	vst v0  }
0x29: {  	[tilespmem:$0x2320] =	vst v0  }
0x2a: {  	[tilespmem:$0x2330] =	vst v0  }
0x2b: {  	[tilespmem:$0x2340] =	vst v0  }
0x2c: {  	[tilespmem:$0x2350] =	vst v0  }
0x2d: {  	[tilespmem:$0x2360] =	vst v0  }
0x2e: {  	[tilespmem:$0x2370] =	vst v0  }
0x2f: {  	[spmem:s14] =	stream.linear.scatter [tilespmem:s17], [sflag:$0x2], $0x200, $0x38;
	[tilespmem:$0x2580] =	vst v63  }
0x30: {  	_ =	swait.ge [sflag:s3], $0x200  }
0x31: {  	[sflag:s3] =	ssyncset.done $0x0  }
0x32: {  	[sflag:s3] =	ssyncadd.s32 $0xFFFFFE00  }
0x33: {  	[tilespmem:$0x2100] =	vst v1  }
0x34: {  	[tilespmem:$0x2170] =	vst v1  }
0x35: {  	[tilespmem:$0x2160] =	vst v1  }
0x36: {  	[tilespmem:$0x2150] =	vst v1  }
0x37: {  	[tilespmem:$0x2140] =	vst v1  }
0x38: {  	[tilespmem:$0x2130] =	vst v1  }
0x39: {  	[tilespmem:$0x2120] =	vst v1  }
0x3a: {  	[tilespmem:$0x2110] =	vst v1  }
0x3b: {  	[tilespmem:s13], [sflag:$0x1] =	stream.indirect.gather [hbm4b:s4+s5], $0x20, s2, s5, $0xb8;
	[tilespmem:$0x2580] =	vst v63  }
0x3c: {  	_ =	swait.ge [sflag:s11], $0x1000  }
0x3d: {  	[sflag:s11] =	ssyncset.done $0x0  }
0x3e: {  	[sflag:s11] =	ssyncadd.s32 $0xFFFFF000  }
0x3f: {  	[hbm4b:s9+s2] =	stream.linear.scatter [tilespmem:s13], [sflag:$0x2], $0x1000, $0x38;
	[tilespmem:$0x2580] =	vst v63  }
0x40: {  	_ =	swait.ge [sflag:s3], $0x1000  }
0x41: {  	[sflag:s3] =	ssyncset.done $0x0  }
0x42: {  	[sflag:s3] =	ssyncadd.s32 $0xFFFFF000  }
0x43: {  	[tilespmem:s12], [sflag:$0x1] =	stream.indirect.gather [hbm4b:s4+s5], $0x20, s5, s5, $0xb8;
	[tilespmem:$0x2580] =	vst v63  }
0x44: {  	_ =	swait.ge [sflag:s11], $0x1000  }
0x45: {  	[sflag:s11] =	ssyncset.done $0x0  }
0x46: {  	[sflag:s11] =	ssyncadd.s32 $0xFFFFF000  }
0x47: {  	[hbm4b:s8+s2] =	stream.linear.scatter [tilespmem:s12], [sflag:$0x2], $0x1000, $0x38;
	[tilespmem:$0x2580] =	vst v63  }
0x48: {  	_ =	swait.ge [sflag:s3], $0x1000  }
0x49: {  	[sflag:s3] =	ssyncset.done $0x0  }
0x4a: {  	[sflag:s3] =	ssyncadd.s32 $0xFFFFF000  }
0x4b: {  	[bflag:$0x0] =	sbarrier.arrive $0xFFFF  }
0x4c: {  	[spmem:s1] =	stream.indirect.scatter.add.f32 [tilespmem:s10], [sflag:$0x2], $0x1, s2, s5, $0xb8;
	[tilespmem:$0x2580] =	vst v63  }
0x4d: {  	_ =	swait.ge [sflag:s3], $0x80  }
0x4e: {  	[sflag:s3] =	ssyncset.done $0x0  }
0x4f: {  	[sflag:s3] =	ssyncadd.s32 $0xFFFFFF80  }
0x50: {  	[spmem:s1] =	stream.indirect.scatter.add.f32 [tilespmem:s10], [sflag:$0x2], $0x1, s5, s5, $0xb8;
	[tilespmem:$0x2580] =	vst v63  }
0x51: {  	_ =	swait.ge [sflag:s3], $0x80  }
0x52: {  	[sflag:s3] =	ssyncset.done $0x0  }
0x53: {  	s19 =	simm.s32 @!p0 $0x1C02;
	[sflag:s3] =	ssyncadd.s32 $0xFFFFFF80  }
0x54: {  	s20 =	simm.s32 @!p0 $0x2;
	[bflag:$0x0] =	sbarrier.arrive $0xFFFF  }
0x55: {  	[hbm:s6], [sflag:s19] =	dma.local @!p0 [spmem:s7], $0x400  }
0x56: {  	_ =	swait.ge @!p0 [sflag:s20], $0x400  }
0x57: {  	[sflag:s20] =	ssyncset.done @!p0 $0x0  }
0x58: {  	[sflag:s20] =	ssyncadd.s32 @!p0 $0xFFFFFC00  }
0x59: {  	[tilespmem:s2], [sflag:$0x2] =	stream.linear.gather [hbm4b:s15+s2], $0x80, $0x38;
	[tilespmem:$0x2580] =	vst v63  }
0x5a: {  	_ =	swait.ge [sflag:s3], $0x80  }
0x5b: {  	[sflag:s3] =	ssyncset.done $0x0  }
0x5c: {  	[sflag:s3] =	ssyncadd.s32 $0xFFFFFF80  }
0x5d: {  	[tilespmem:s5], [sflag:$0x2] =	stream.linear.gather [hbm4b:s16+s2], $0x80, $0x38;
	[tilespmem:$0x2580] =	vst v63  }
0x5e: {  	_ =	swait.ge [sflag:s3], $0x80  }
0x5f: {  	[sflag:s3] =	ssyncset.done $0x0  }
0x60: {  	[sflag:s3] =	ssyncadd.s32 $0xFFFFFF80  }
0x61: {  	[tilespmem:$0x21F0] =	vst v0  }
0x62: {  	[tilespmem:$0x21E0] =	vst v0  }
0x63: {  	[tilespmem:$0x21D0] =	vst v0  }
.Ltmp1:
0x64: {  	[tilespmem:$0x21C0] =	vst v0;
	(pc) =	sbr.rel @p1 .LBB2_1-.Ltmp1, $4  }
0x65: {  	[tilespmem:$0x21B0] =	vst v0  }
0x66: {  	[tilespmem:$0x21A0] =	vst v0  }
0x67: {  	[tilespmem:$0x2180] =	vst v0  }
0x68: {  	[tilespmem:$0x2190] =	vst v0  }
.LBB2_2:
0x69: {  	[tilespmem:$0x2200] =	vst v0  }
0x6a: {  	[tilespmem:$0x2210] =	vst v0  }
0x6b: {  	[tilespmem:$0x2220] =	vst v0  }
0x6c: {  	[tilespmem:$0x2230] =	vst v0  }
0x6d: {  	[tilespmem:$0x2240] =	vst v0  }
0x6e: {  	[tilespmem:$0x2250] =	vst v0  }
0x6f: {  	[tilespmem:$0x2260] =	vst v0  }
0x70: {  	[tilespmem:$0x2270] =	vst v0  }
0x71: {  	[tilespmem:$0x2280] =	vst v0  }
0x72: {  	[tilespmem:$0x2290] =	vst v0  }
0x73: {  	[tilespmem:$0x22A0] =	vst v0  }
0x74: {  	[tilespmem:$0x22B0] =	vst v0  }
0x75: {  	[tilespmem:$0x22C0] =	vst v0  }
0x76: {  	[tilespmem:$0x22D0] =	vst v0  }
0x77: {  	[tilespmem:$0x22E0] =	vst v0  }
0x78: {  	[tilespmem:$0x22F0] =	vst v0  }
0x79: {  	[tilespmem:$0x2300] =	vst v0  }
0x7a: {  	[tilespmem:$0x2310] =	vst v0  }
0x7b: {  	[tilespmem:$0x2320] =	vst v0  }
0x7c: {  	[tilespmem:$0x2330] =	vst v0  }
0x7d: {  	[tilespmem:$0x2340] =	vst v0  }
0x7e: {  	[tilespmem:$0x2350] =	vst v0  }
0x7f: {  	[tilespmem:$0x2360] =	vst v0  }
0x80: {  	[tilespmem:$0x2370] =	vst v0  }
0x81: {  	[spmem:s14] =	stream.linear.scatter [tilespmem:s17], [sflag:$0x2], $0x200, $0x38;
	[tilespmem:$0x2580] =	vst v63  }
0x82: {  	_ =	swait.ge [sflag:s3], $0x200  }
0x83: {  	[sflag:s3] =	ssyncset.done $0x0  }
0x84: {  	[sflag:s3] =	ssyncadd.s32 $0xFFFFFE00  }
0x85: {  	[tilespmem:$0x2100] =	vst v1  }
0x86: {  	[tilespmem:$0x2170] =	vst v1  }
0x87: {  	[tilespmem:$0x2160] =	vst v1  }
0x88: {  	[tilespmem:$0x2150] =	vst v1  }
0x89: {  	[tilespmem:$0x2140] =	vst v1  }
0x8a: {  	[tilespmem:$0x2130] =	vst v1  }
0x8b: {  	[tilespmem:$0x2120] =	vst v1  }
0x8c: {  	[tilespmem:$0x2110] =	vst v1  }
0x8d: {  	[tilespmem:s13], [sflag:$0x1] =	stream.indirect.gather [hbm4b:s4+s5], $0x20, s2, s5, $0xb8;
	[tilespmem:$0x2580] =	vst v63  }
0x8e: {  	_ =	swait.ge [sflag:s11], $0x1000  }
0x8f: {  	[sflag:s11] =	ssyncset.done $0x0  }
0x90: {  	[sflag:s11] =	ssyncadd.s32 $0xFFFFF000  }
0x91: {  	[hbm4b:s9+s2] =	stream.linear.scatter [tilespmem:s13], [sflag:$0x2], $0x1000, $0x38;
	[tilespmem:$0x2580] =	vst v63  }
0x92: {  	_ =	swait.ge [sflag:s3], $0x1000  }
0x93: {  	[sflag:s3] =	ssyncset.done $0x0  }
0x94: {  	[sflag:s3] =	ssyncadd.s32 $0xFFFFF000  }
0x95: {  	[tilespmem:s12], [sflag:$0x1] =	stream.indirect.gather [hbm4b:s4+s5], $0x20, s5, s5, $0xb8;
	[tilespmem:$0x2580] =	vst v63  }
0x96: {  	_ =	swait.ge [sflag:s11], $0x1000  }
0x97: {  	[sflag:s11] =	ssyncset.done $0x0  }
0x98: {  	[sflag:s11] =	ssyncadd.s32 $0xFFFFF000  }
0x99: {  	[hbm4b:s8+s2] =	stream.linear.scatter [tilespmem:s12], [sflag:$0x2], $0x1000, $0x38;
	[tilespmem:$0x2580] =	vst v63  }
0x9a: {  	_ =	swait.ge [sflag:s3], $0x1000  }
0x9b: {  	[sflag:s3] =	ssyncset.done $0x0  }
0x9c: {  	[sflag:s3] =	ssyncadd.s32 $0xFFFFF000  }
0x9d: {  	[bflag:$0x0] =	sbarrier.arrive $0xFFFF  }
0x9e: {  	[spmem:s1] =	stream.indirect.scatter.add.f32 [tilespmem:s10], [sflag:$0x2], $0x1, s2, s5, $0xb8;
	[tilespmem:$0x2580] =	vst v63  }
0x9f: {  	_ =	swait.ge [sflag:s3], $0x80  }
0xa0: {  	[sflag:s3] =	ssyncset.done $0x0  }
0xa1: {  	[sflag:s3] =	ssyncadd.s32 $0xFFFFFF80  }
0xa2: {  	[spmem:s1] =	stream.indirect.scatter.add.f32 [tilespmem:s10], [sflag:$0x2], $0x1, s5, s5, $0xb8;
	[tilespmem:$0x2580] =	vst v63  }
0xa3: {  	_ =	swait.ge [sflag:s3], $0x80  }
0xa4: {  	[sflag:s3] =	ssyncset.done $0x0  }
0xa5: {  	[sflag:s3] =	ssyncadd.s32 $0xFFFFFF80  }
0xa6: {  	s2 =	simm.s32 @!p0 $0x2;
	s1 =	simm.s32 @!p0 $0x1C02;
	[bflag:$0x0] =	sbarrier.arrive $0xFFFF  }
0xa7: {  	[hbm:s6], [sflag:s1] =	dma.local @!p0 [spmem:s7], $0x400  }
0xa8: {  	_ =	swait.ge @!p0 [sflag:s2], $0x400  }
0xa9: {  	[sflag:s2] =	ssyncset.done @!p0 $0x0  }
0xaa: {  	[sflag:s2] =	ssyncadd.s32 @!p0 $0xFFFFFC00  }
0xab: {  	_ =	sfence.sel $0x180000  }
0xac: {  	[bflag:$0x0] =	sbarrier.arrive $0xFFFF  }
0xad: {  	_ =	strace $0x90000047  }
0xae: {  	s0 =	sadd.s32 @!p0 $0x100000, s0;
	[bflag:$0x2] =	sbarrier.arrive $0xFFFF  }
0xaf: {  	[sflag:s0] =	ssyncadd.tile.s32 @!p0 $0x1;
	_ =	shalt  }
.Lfunc_end2:
_tile_overlayer_lowered:
.L_overlay_start_2:
0xb0: {  	(tag) =	ssettag $0x2  }
0xb1: {  	s0 =	rddreg [dreg:$0x0];
	s2 =	stileid.u32  }
0xb2: {  	s1 =	rddreg [dreg:$0x1];
	p0 =	sne.s32 s2, $0x0  }
0xb3: {  	s3 =	rddreg [dreg:$0x2];
	[bflag:$0x3] =	sbarrier.arrive $0xFFFF;
	s2 =	simm.s32 @!p0 $0x1C02  }
0xb4: {  	[timem:s3], [sflag:s2] =	dma.local @!p0 [hbm:s0], s1  }
0xb5: {  	s0 =	simm.s32 @!p0 $0x2  }
0xb6: {  	_ =	swait.ge @!p0 [sflag:s0], s1  }
0xb7: {  	s1 =	ssub.s32 @!p0 $0x0, s1;
	[sflag:s0] =	ssyncset.done @!p0 $0x0  }
0xb8: {  	[sflag:s0] =	ssyncadd.s32 @!p0 s1  }
0xb9: {  	[bflag:$0x3] =	sbarrier.arrive $0xFFFF  }
0xba: {  	_ =	shalt  }

</sc_bundles>
